<compile_context>
chip_gen: v7x
topology: tpu7x:2x2x1
jax: 0.10.2.dev20260603
libtpu: 0.0.44.dev20260713+nightly
codegen_flags: <defaults>
</compile_context>

<pallas_src>
import functools

import jax
import jax.numpy as jnp
from jax import lax
from jax.experimental import pallas as pl
from jax.experimental.pallas import tpu as pltpu
from jax.experimental.pallas import tpu_sc as plsc

_NC = 2
_NS = 16
_NW = _NC * _NS
_BLK = 128
_CBLKS = 32


def _vgather(tab, idx):
    return lax.gather(
        tab, idx[:, None],
        lax.GatherDimensionNumbers(
            offset_dims=(), collapsed_slice_dims=(0,), start_index_map=(0,)),
        (1,), mode=lax.GatherScatterMode.PROMISE_IN_BOUNDS)


def _rsqrt_seed(s):
    i = lax.bitcast_convert_type(s, jnp.int32)
    return lax.bitcast_convert_type(
        jnp.int32(0x5F3759DF) - (i >> 1), jnp.float32)


def _rsqrt2(s):
    y = _rsqrt_seed(s)
    hs = 0.5 * s
    y = y * (1.5 - hs * y * y)
    y = y * (1.5 - hs * y * y)
    return y


def _rsqrt1(s):
    y = _rsqrt_seed(s)
    y = y * (1.5 - (0.5 * s) * y * y)
    return y


def _sc_body(blocks_per_worker, qh, ch, sh, out_h,
             inb, outb, ctab_v, stab_v, isem0, isem1, osem0, osem1):
    iters = blocks_per_worker // _CBLKS
    wid = lax.axis_index("c") * _NS + lax.axis_index("s")
    base_w = wid * blocks_per_worker
    isems = (isem0, isem1)
    osems = (osem0, osem1)

    pltpu.sync_copy(ch, ctab_v)
    pltpu.sync_copy(sh, stab_v)
    ctv = ctab_v[...]
    stv = stab_v[...]
    c8v = _vgather(ctv, jnp.full((16,), 8, jnp.int32))

    def in_cp(gg, b):
        off = base_w + gg * _CBLKS
        return pltpu.make_async_copy(
            qh.at[pl.ds(off, _CBLKS)], inb.at[b], isems[b])

    def out_cp(gg, b):
        off = base_w + gg * _CBLKS
        return pltpu.make_async_copy(
            outb.at[b], out_h.at[pl.ds(off, _CBLKS)], osems[b])

    in_cp(0, 0).start()

    def pair_body(h, carry):
        g = h * 2
        for b in range(2):
            gg = g + b

            @pl.when(gg + 1 < iters)
            def _():
                in_cp(gg + 1, 1 - b).start()

            in_cp(gg, b).wait()

            @pl.when(gg >= 2)
            def _():
                out_cp(gg - 2, b).wait()

            @plsc.parallel_loop(0, _CBLKS * (_BLK // 16), unroll=2)
            def blk(j):
                i = j >> 3
                k = j & 7
                d = pl.ds(k * 16, 16)
                w = inb[b, i, 0, d]
                x = inb[b, i, 1, d]
                y = inb[b, i, 2, d]
                z = inb[b, i, 3, d]

                ww = w * w
                sv = x * x + y * y + z * z
                s = sv + ww
                rs = _rsqrt2(s)
                norms = jnp.maximum(s * rs, 1e-6)
                w_u = w * jnp.minimum(rs, 1e6)

                lo = jnp.where(w_u < c8v, 8, 0)
                for sz in (4, 2, 1):
                    cm = _vgather(ctv, lo + sz)
                    lo = jnp.where(w_u < cm, lo + sz, lo)

                cq = plsc.load_gather(ctab_v, [lo])
                sq = plsc.load_gather(stab_v, [lo])
                t = sq * (norms * _rsqrt1(sv))

                outb[b, i, 0, d] = cq * norms
                outb[b, i, 1, d] = x * t
                outb[b, i, 2, d] = y * t
                outb[b, i, 3, d] = z * t

            out_cp(gg, b).start()
        return carry

    lax.fori_loop(0, iters // 2, pair_body, 0)
    out_cp(iters - 2, 0).wait()
    out_cp(iters - 1, 1).wait()


@functools.partial(jax.jit, static_argnums=(3,))
def _run_sc(qv, ctab, stab, n_blocks):
    blocks_per_worker = n_blocks // _NW
    mesh = plsc.VectorSubcoreMesh(
        core_axis_name="c", subcore_axis_name="s",
        num_cores=_NC, num_subcores=_NS)
    f = pl.kernel(
        functools.partial(_sc_body, blocks_per_worker),
        out_type=jax.ShapeDtypeStruct((n_blocks, 4, _BLK), jnp.float32),
        mesh=mesh,
        scratch_types=[
            pltpu.VMEM((2, _CBLKS, 4, _BLK), jnp.float32),
            pltpu.VMEM((2, _CBLKS, 4, _BLK), jnp.float32),
            pltpu.VMEM((16,), jnp.float32),
            pltpu.VMEM((16,), jnp.float32),
            pltpu.SemaphoreType.DMA,
            pltpu.SemaphoreType.DMA,
            pltpu.SemaphoreType.DMA,
            pltpu.SemaphoreType.DMA,
        ],
        compiler_params=pltpu.CompilerParams(
            needs_layout_passes=False, use_tc_tiling_on_sc=False),
    )
    return f(qv, ctab, stab)


def kernel(q_weights, bins):
    n_rows = q_weights.shape[0]
    n_blocks = n_rows // _BLK
    half = bins * 0.5
    ctab = jnp.cos(half)
    stab = jnp.sin(half)
    qv = q_weights.reshape(n_blocks, _BLK, 4).transpose(0, 2, 1)
    outv = _run_sc(qv, ctab, stab, n_blocks)
    return outv.transpose(0, 2, 1).reshape(n_rows, 4)

# --- scband reference (transcript-rebuilt; emitter-appended) ---
"""Pipeline reference for scband-fractal-weight-quantizer-87462714016240 (READ-ONLY COPY).

The authoritative reference and input builder live on the scoring server;
editing this copy changes nothing except your own understanding.
"""

import jax, jax.numpy as jnp
import numpy as np
import math


def _generate_fractal_bins(bits=4, fractal_depth=3):
    bins = [0.0, 1.0]
    delta = 0.25
    for _ in range(fractal_depth):
        new_bins = []
        for b in bins:
            new_bins.extend([b - delta, b + delta])
        bins = sorted(set(new_bins + bins))
        delta /= 2
    bins = np.array(bins, dtype=np.float32)
    bins = (bins - bins.min()) / (bins.max() - bins.min())
    levels = 2 ** bits
    return jnp.asarray(bins[:levels] * math.pi, dtype=jnp.float32)


def setup_inputs(seed: int = 0) -> dict:
    key = jax.random.key(seed)
    q_weights = jax.random.normal(key, (8388608, 4), dtype=jnp.float32)
    bins = _generate_fractal_bins(bits=4, fractal_depth=3)
    return {"q_weights": q_weights, "bins": bins}


def reference(q_weights, bins):
    levels = 16
    norms = jnp.maximum(jnp.linalg.norm(q_weights, axis=-1, keepdims=True), 1e-06)
    q_unit = q_weights / norms
    theta = 2.0 * jnp.arccos(jnp.clip(q_unit[..., 0], -1.0, 1.0))
    shape = theta.shape
    theta_flat = theta.reshape(-1)
    # torch.bucketize(right=False): boundaries[i-1] < v <= boundaries[i] == searchsorted side='left'
    indices = jnp.searchsorted(bins, theta_flat, side='left') - 1
    indices = jnp.clip(indices, 0, levels - 1)
    theta_q = jnp.take(bins, indices, axis=0).reshape(shape)
    v = q_unit[..., 1:]
    u = v / jnp.maximum(jnp.linalg.norm(v, axis=-1, keepdims=True), 1e-06)
    new_a = jnp.cos(theta_q / 2.0)[..., None]
    new_v = u * jnp.sin(theta_q / 2.0)[..., None]
    quantized_q = jnp.concatenate([new_a, new_v], axis=-1)
    return quantized_q * norms

if __name__ == "__main__":
    import jax
    _d = setup_inputs()
    print(jax.jit(kernel)(*tuple(_d.values())))

</pallas_src>

<mosaic_0001>
#map = affine_map<(d0, d1) -> (0, 0, 0)>
#map1 = affine_map<(d0, d1) -> (0)>
module attributes {stable_mosaic.version = 14 : i64} {
  func.func @_sc_body(%arg0: i32, %arg1: i32, %arg2: memref<65536x4x128xf32, #tpu.memory_space<hbm>>, %arg3: memref<16xf32, #tpu.memory_space<hbm>>, %arg4: memref<16xf32, #tpu.memory_space<hbm>>, %arg5: memref<65536x4x128xf32, #tpu.memory_space<hbm>>, %arg6: memref<2x32x4x128xf32, #tpu.memory_space<vmem>>, %arg7: memref<2x32x4x128xf32, #tpu.memory_space<vmem>>, %arg8: memref<16xf32, #tpu.memory_space<vmem>>, %arg9: memref<16xf32, #tpu.memory_space<vmem>>, %arg10: memref<!tpu.dma_semaphore, #tpu.memory_space<semaphore_mem>>, %arg11: memref<!tpu.dma_semaphore, #tpu.memory_space<semaphore_mem>>, %arg12: memref<!tpu.dma_semaphore, #tpu.memory_space<semaphore_mem>>, %arg13: memref<!tpu.dma_semaphore, #tpu.memory_space<semaphore_mem>>) attributes {dimension_semantics = [#tpu.dimension_semantics<core_parallel>, #tpu.dimension_semantics<subcore_parallel>], iteration_bounds = array<i64: 2, 16>, scalar_prefetch = 0 : i64, scratch_operands = 8 : i64, tpu.core_type = #tpu.core_type<sc_vector_subcore>, window_params = [{transform_indices = #map}, {transform_indices = #map1}, {transform_indices = #map1}, {transform_indices = #map}]} {
    %mul3A = arith.constant 16 : i32
    %mul3A_0 = arith.muli %arg0, %mul3A : i32
    %add3A = arith.addi %mul3A_0, %arg1 : i32
    %mul3A_1 = arith.constant 2048 : i32
    %mul3A_2 = arith.muli %add3A, %mul3A_1 : i32
    "tpu.region"() ({
      %run_scoped3A = tpu.sem_alloc : memref<!tpu.dma_semaphore, #tpu.memory_space<semaphore_mem>>
      tpu.enqueue_dma source(%arg3 : memref<16xf32, #tpu.memory_space<hbm>>) target(%arg8 : memref<16xf32, #tpu.memory_space<vmem>>) target_semaphore(%run_scoped3A : memref<!tpu.dma_semaphore, #tpu.memory_space<semaphore_mem>>)
      tpu.wait_dma2 semaphore(%run_scoped3A : memref<!tpu.dma_semaphore, #tpu.memory_space<semaphore_mem>>) src(%arg3 : memref<16xf32, #tpu.memory_space<hbm>>) dst(%arg8 : memref<16xf32, #tpu.memory_space<vmem>>)
      tpu.yield
    }) : () -> ()
    "tpu.region"() ({
      %run_scoped3A = tpu.sem_alloc : memref<!tpu.dma_semaphore, #tpu.memory_space<semaphore_mem>>
      tpu.enqueue_dma source(%arg4 : memref<16xf32, #tpu.memory_space<hbm>>) target(%arg9 : memref<16xf32, #tpu.memory_space<vmem>>) target_semaphore(%run_scoped3A : memref<!tpu.dma_semaphore, #tpu.memory_space<semaphore_mem>>)
      tpu.wait_dma2 semaphore(%run_scoped3A : memref<!tpu.dma_semaphore, #tpu.memory_space<semaphore_mem>>) src(%arg4 : memref<16xf32, #tpu.memory_space<hbm>>) dst(%arg9 : memref<16xf32, #tpu.memory_space<vmem>>)
      tpu.yield
    }) : () -> ()
    %get3A = arith.constant 0 : index
    %get3A_3 = tpu.vector_load %arg8[%get3A] {strides = array<i32>} : memref<16xf32, #tpu.memory_space<vmem>>, vector<16xf32>,
    %get3A_4 = arith.constant 0 : index
    %get3A_5 = tpu.vector_load %arg9[%get3A_4] {strides = array<i32>} : memref<16xf32, #tpu.memory_space<vmem>>, vector<16xf32>,
    %broadcast_in_dim3A = arith.constant 8 : i32
    %broadcast_in_dim3A_6 = vector.broadcast %broadcast_in_dim3A : i32 to vector<16xi32>
    %broadcast_in_dim3A_7 = vector.shape_cast %broadcast_in_dim3A_6 : vector<16xi32> to vector<16x1xi32>
    %gather3A = vector.shape_cast %broadcast_in_dim3A_7 : vector<16x1xi32> to vector<16xi32>
    %gather3A_8 = tpu.dynamic_gather %get3A_3[%gather3A] in [0] : vector<16xf32>, vector<16xi32> -> vector<16xf32>
    %add3A_9 = arith.constant 0 : i32
    %add3A_10 = arith.addi %mul3A_2, %add3A_9 : i32
    %dma_start3A = arith.constant 0 : i32
    %dma_start3A_11 = arith.constant 0 : i32
    %dma_start3A_12 = arith.constant 0 : i32
    %dma_start3A_13 = arith.constant 0 : i32
    %dma_start3A_14 = tpu.memref_slice %arg6[%dma_start3A, %dma_start3A_11, %dma_start3A_12, %dma_start3A_13] : memref<2x32x4x128xf32, #tpu.memory_space<vmem>> -> memref<1x32x4x128xf32, #tpu.memory_space<vmem>>
    %dma_start3A_15 = tpu.memref_squeeze %dma_start3A_14 : memref<1x32x4x128xf32, #tpu.memory_space<vmem>> -> memref<32x4x128xf32, #tpu.memory_space<vmem>>
    %dma_start3A_16 = arith.constant 0 : i32
    %dma_start3A_17 = arith.constant 0 : i32
    %dma_start3A_18 = tpu.memref_slice %arg2[%add3A_10, %dma_start3A_16, %dma_start3A_17] : memref<65536x4x128xf32, #tpu.memory_space<hbm>> -> memref<32x4x128xf32, #tpu.memory_space<hbm>>
    %dma_start3A_19 = arith.constant 0 : i32
    %dma_start3A_20 = arith.constant 0 : i32
    %dma_start3A_21 = arith.constant 0 : i32
    %dma_start3A_22 = tpu.memref_slice %arg6[%dma_start3A, %dma_start3A_19, %dma_start3A_20, %dma_start3A_21] : memref<2x32x4x128xf32, #tpu.memory_space<vmem>> -> memref<1x32x4x128xf32, #tpu.memory_space<vmem>>
    %dma_start3A_23 = tpu.memref_squeeze %dma_start3A_22 : memref<1x32x4x128xf32, #tpu.memory_space<vmem>> -> memref<32x4x128xf32, #tpu.memory_space<vmem>>
    %dma_start3A_24 = arith.constant 0 : i32
    %dma_start3A_25 = arith.constant 0 : i32
    %dma_start3A_26 = tpu.memref_slice %arg2[%add3A_10, %dma_start3A_24, %dma_start3A_25] : memref<65536x4x128xf32, #tpu.memory_space<hbm>> -> memref<32x4x128xf32, #tpu.memory_space<hbm>>
    tpu.enqueue_dma source(%dma_start3A_26 : memref<32x4x128xf32, #tpu.memory_space<hbm>>) target(%dma_start3A_23 : memref<32x4x128xf32, #tpu.memory_space<vmem>>) target_semaphore(%arg10 : memref<!tpu.dma_semaphore, #tpu.memory_space<semaphore_mem>>)
    %scan3A = arith.constant 0 : i32
    %scan3A_27 = arith.constant 0 : i32
    %scan3A_28 = arith.constant 32 : i32
    %scan3A_29 = arith.addi %scan3A_27, %scan3A_28 : i32
    %scan3A_30 = arith.constant 1 : i32
    scf.for %scan3A_69 = %scan3A_27 to %scan3A_29 step %scan3A_30  : i32 {
      %mul3A_70 = arith.constant 2 : i32
      %mul3A_71 = arith.muli %scan3A_69, %mul3A_70 : i32
      %add3A_72 = arith.constant 0 : i32
      %add3A_73 = arith.addi %mul3A_71, %add3A_72 : i32
      %add3A_74 = arith.constant 1 : i32
      %add3A_75 = arith.addi %add3A_73, %add3A_74 : i32
      %lt3A = arith.constant 64 : i32
      %lt3A_76 = arith.cmpi slt, %add3A_75, %lt3A : i32
      %convert_element_type3A = arith.extui %lt3A_76 : i1 to i32
      %cond3A = arith.constant 0 : i32
      %cond3A_77 = arith.cmpi ne, %convert_element_type3A, %cond3A : i32
      scf.if %cond3A_77 {
        %add3A_181 = arith.constant 1 : i32
        %add3A_182 = arith.addi %add3A_73, %add3A_181 : i32
        %mul3A_183 = arith.constant 32 : i32
        %mul3A_184 = arith.muli %add3A_182, %mul3A_183 : i32
        %add3A_185 = arith.addi %mul3A_2, %mul3A_184 : i32
        %dma_start3A_186 = arith.constant 1 : i32
        %dma_start3A_187 = arith.constant 0 : i32
        %dma_start3A_188 = arith.constant 0 : i32
        %dma_start3A_189 = arith.constant 0 : i32
        %dma_start3A_190 = tpu.memref_slice %arg6[%dma_start3A_186, %dma_start3A_187, %dma_start3A_188, %dma_start3A_189] : memref<2x32x4x128xf32, #tpu.memory_space<vmem>> -> memref<1x32x4x128xf32, #tpu.memory_space<vmem>>
        %dma_start3A_191 = tpu.memref_squeeze %dma_start3A_190 : memref<1x32x4x128xf32, #tpu.memory_space<vmem>> -> memref<32x4x128xf32, #tpu.memory_space<vmem>>
        %dma_start3A_192 = arith.constant 0 : i32
        %dma_start3A_193 = arith.constant 0 : i32
        %dma_start3A_194 = tpu.memref_slice %arg2[%add3A_185, %dma_start3A_192, %dma_start3A_193] : memref<65536x4x128xf32, #tpu.memory_space<hbm>> -> memref<32x4x128xf32, #tpu.memory_space<hbm>>
        %dma_start3A_195 = arith.constant 0 : i32
        %dma_start3A_196 = arith.constant 0 : i32
        %dma_start3A_197 = arith.constant 0 : i32
        %dma_start3A_198 = tpu.memref_slice %arg6[%dma_start3A_186, %dma_start3A_195, %dma_start3A_196, %dma_start3A_197] : memref<2x32x4x128xf32, #tpu.memory_space<vmem>> -> memref<1x32x4x128xf32, #tpu.memory_space<vmem>>
        %dma_start3A_199 = tpu.memref_squeeze %dma_start3A_198 : memref<1x32x4x128xf32, #tpu.memory_space<vmem>> -> memref<32x4x128xf32, #tpu.memory_space<vmem>>
        %dma_start3A_200 = arith.constant 0 : i32
        %dma_start3A_201 = arith.constant 0 : i32
        %dma_start3A_202 = tpu.memref_slice %arg2[%add3A_185, %dma_start3A_200, %dma_start3A_201] : memref<65536x4x128xf32, #tpu.memory_space<hbm>> -> memref<32x4x128xf32, #tpu.memory_space<hbm>>
        tpu.enqueue_dma source(%dma_start3A_202 : memref<32x4x128xf32, #tpu.memory_space<hbm>>) target(%dma_start3A_199 : memref<32x4x128xf32, #tpu.memory_space<vmem>>) target_semaphore(%arg11 : memref<!tpu.dma_semaphore, #tpu.memory_space<semaphore_mem>>)
      } else {
      }
      %mul3A_78 = arith.constant 32 : i32
      %mul3A_79 = arith.muli %add3A_73, %mul3A_78 : i32
      %add3A_80 = arith.addi %mul3A_2, %mul3A_79 : i32
      %dma_wait3A_81 = arith.constant 0 : i32
      %dma_wait3A_82 = arith.constant 0 : i32
      %dma_wait3A_83 = arith.constant 0 : i32
      %dma_wait3A_84 = arith.constant 0 : i32
      %dma_wait3A_85 = tpu.memref_slice %arg6[%dma_wait3A_81, %dma_wait3A_82, %dma_wait3A_83, %dma_wait3A_84] : memref<2x32x4x128xf32, #tpu.memory_space<vmem>> -> memref<1x32x4x128xf32, #tpu.memory_space<vmem>>
      %dma_wait3A_86 = tpu.memref_squeeze %dma_wait3A_85 : memref<1x32x4x128xf32, #tpu.memory_space<vmem>> -> memref<32x4x128xf32, #tpu.memory_space<vmem>>
      %dma_wait3A_87 = arith.constant 0 : i32
      %dma_wait3A_88 = arith.constant 0 : i32
      %dma_wait3A_89 = tpu.memref_slice %arg2[%add3A_80, %dma_wait3A_87, %dma_wait3A_88] : memref<65536x4x128xf32, #tpu.memory_space<hbm>> -> memref<32x4x128xf32, #tpu.memory_space<hbm>>
      %dma_wait3A_90 = arith.constant 0 : i32
      %dma_wait3A_91 = arith.constant 0 : i32
      %dma_wait3A_92 = arith.constant 0 : i32
      %dma_wait3A_93 = tpu.memref_slice %arg6[%dma_wait3A_81, %dma_wait3A_90, %dma_wait3A_91, %dma_wait3A_92] : memref<2x32x4x128xf32, #tpu.memory_space<vmem>> -> memref<1x32x4x128xf32, #tpu.memory_space<vmem>>
      %dma_wait3A_94 = tpu.memref_squeeze %dma_wait3A_93 : memref<1x32x4x128xf32, #tpu.memory_space<vmem>> -> memref<32x4x128xf32, #tpu.memory_space<vmem>>
      %dma_wait3A_95 = arith.constant 0 : i32
      %dma_wait3A_96 = arith.constant 0 : i32
      %dma_wait3A_97 = tpu.memref_slice %arg2[%add3A_80, %dma_wait3A_95, %dma_wait3A_96] : memref<65536x4x128xf32, #tpu.memory_space<hbm>> -> memref<32x4x128xf32, #tpu.memory_space<hbm>>
      tpu.wait_dma2 semaphore(%arg10 : memref<!tpu.dma_semaphore, #tpu.memory_space<semaphore_mem>>) src(%dma_wait3A_97 : memref<32x4x128xf32, #tpu.memory_space<hbm>>) dst(%dma_wait3A_94 : memref<32x4x128xf32, #tpu.memory_space<vmem>>)
      %ge3A = arith.constant 2 : i32
      %ge3A_98 = arith.cmpi sge, %add3A_73, %ge3A : i32
      %convert_element_type3A_99 = arith.extui %ge3A_98 : i1 to i32
      %cond3A_100 = arith.constant 0 : i32
      %cond3A_101 = arith.cmpi ne, %convert_element_type3A_99, %cond3A_100 : i32
      scf.if %cond3A_101 {
        %sub3A = arith.constant 2 : i32
        %sub3A_181 = arith.subi %add3A_73, %sub3A : i32
        %mul3A_182 = arith.constant 32 : i32
        %mul3A_183 = arith.muli %sub3A_181, %mul3A_182 : i32
        %add3A_184 = arith.addi %mul3A_2, %mul3A_183 : i32
        %dma_wait3A_185 = arith.constant 0 : i32
        %dma_wait3A_186 = arith.constant 0 : i32
        %dma_wait3A_187 = arith.constant 0 : i32
        %dma_wait3A_188 = arith.constant 0 : i32
        %dma_wait3A_189 = tpu.memref_slice %arg7[%dma_wait3A_185, %dma_wait3A_186, %dma_wait3A_187, %dma_wait3A_188] : memref<2x32x4x128xf32, #tpu.memory_space<vmem>> -> memref<1x32x4x128xf32, #tpu.memory_space<vmem>>
        %dma_wait3A_190 = tpu.memref_squeeze %dma_wait3A_189 : memref<1x32x4x128xf32, #tpu.memory_space<vmem>> -> memref<32x4x128xf32, #tpu.memory_space<vmem>>
        %dma_wait3A_191 = arith.constant 0 : i32
        %dma_wait3A_192 = arith.constant 0 : i32
        %dma_wait3A_193 = tpu.memref_slice %arg5[%add3A_184, %dma_wait3A_191, %dma_wait3A_192] : memref<65536x4x128xf32, #tpu.memory_space<hbm>> -> memref<32x4x128xf32, #tpu.memory_space<hbm>>
        %dma_wait3A_194 = arith.constant 0 : i32
        %dma_wait3A_195 = arith.constant 0 : i32
        %dma_wait3A_196 = tpu.memref_slice %arg5[%add3A_184, %dma_wait3A_194, %dma_wait3A_195] : memref<65536x4x128xf32, #tpu.memory_space<hbm>> -> memref<32x4x128xf32, #tpu.memory_space<hbm>>
        %dma_wait3A_197 = arith.constant 0 : i32
        %dma_wait3A_198 = arith.constant 0 : i32
        %dma_wait3A_199 = arith.constant 0 : i32
        %dma_wait3A_200 = tpu.memref_slice %arg7[%dma_wait3A_185, %dma_wait3A_197, %dma_wait3A_198, %dma_wait3A_199] : memref<2x32x4x128xf32, #tpu.memory_space<vmem>> -> memref<1x32x4x128xf32, #tpu.memory_space<vmem>>
        %dma_wait3A_201 = tpu.memref_squeeze %dma_wait3A_200 : memref<1x32x4x128xf32, #tpu.memory_space<vmem>> -> memref<32x4x128xf32, #tpu.memory_space<vmem>>
        tpu.wait_dma2 semaphore(%arg12 : memref<!tpu.dma_semaphore, #tpu.memory_space<semaphore_mem>>) src(%dma_wait3A_201 : memref<32x4x128xf32, #tpu.memory_space<vmem>>) dst(%dma_wait3A_196 : memref<32x4x128xf32, #tpu.memory_space<hbm>>)
      } else {
      }
      %parallel_loop3A = arith.constant 0 : i32
      %parallel_loop3A_102 = arith.constant 256 : i32
      %parallel_loop3A_103 = arith.constant 1 : i32
      scf.for %parallel_loop3A_181 = %parallel_loop3A to %parallel_loop3A_102 step %parallel_loop3A_103  : i32 {
        %parallel_loop3A_182 = arith.constant 3 : i32
        %parallel_loop3A_183 = arith.shrsi %parallel_loop3A_181, %parallel_loop3A_182 : i32
        %parallel_loop3A_184 = arith.constant 7 : i32
        %parallel_loop3A_185 = arith.andi %parallel_loop3A_181, %parallel_loop3A_184 : i32
        %parallel_loop3A_186 = arith.constant 16 : i32
        %parallel_loop3A_187 = arith.muli %parallel_loop3A_185, %parallel_loop3A_186 : i32
        %parallel_loop3A_188 = arith.constant 0 : i32
        %parallel_loop3A_189 = arith.constant 0 : i32
        %parallel_loop3A_190 = arith.index_cast %parallel_loop3A_188 : i32 to index
        %parallel_loop3A_191 = arith.index_cast %parallel_loop3A_183 : i32 to index
        %parallel_loop3A_192 = arith.index_cast %parallel_loop3A_189 : i32 to index
        %parallel_loop3A_193 = arith.index_cast %parallel_loop3A_187 : i32 to index
        %parallel_loop3A_194 = tpu.vector_load %arg6[%parallel_loop3A_190, %parallel_loop3A_191, %parallel_loop3A_192, %parallel_loop3A_193] {strides = array<i32>} : memref<2x32x4x128xf32, #tpu.memory_space<vmem>>, vector<16xf32>,
        %parallel_loop3A_195 = arith.constant 0 : i32
        %parallel_loop3A_196 = arith.constant 1 : i32
        %parallel_loop3A_197 = arith.index_cast %parallel_loop3A_195 : i32 to index
        %parallel_loop3A_198 = arith.index_cast %parallel_loop3A_183 : i32 to index
        %parallel_loop3A_199 = arith.index_cast %parallel_loop3A_196 : i32 to index
        %parallel_loop3A_200 = arith.index_cast %parallel_loop3A_187 : i32 to index
        %parallel_loop3A_201 = tpu.vector_load %arg6[%parallel_loop3A_197, %parallel_loop3A_198, %parallel_loop3A_199, %parallel_loop3A_200] {strides = array<i32>} : memref<2x32x4x128xf32, #tpu.memory_space<vmem>>, vector<16xf32>,
        %parallel_loop3A_202 = arith.constant 0 : i32
        %parallel_loop3A_203 = arith.constant 2 : i32
        %parallel_loop3A_204 = arith.index_cast %parallel_loop3A_202 : i32 to index
        %parallel_loop3A_205 = arith.index_cast %parallel_loop3A_183 : i32 to index
        %parallel_loop3A_206 = arith.index_cast %parallel_loop3A_203 : i32 to index
        %parallel_loop3A_207 = arith.index_cast %parallel_loop3A_187 : i32 to index
        %parallel_loop3A_208 = tpu.vector_load %arg6[%parallel_loop3A_204, %parallel_loop3A_205, %parallel_loop3A_206, %parallel_loop3A_207] {strides = array<i32>} : memref<2x32x4x128xf32, #tpu.memory_space<vmem>>, vector<16xf32>,
        %parallel_loop3A_209 = arith.constant 0 : i32
        %parallel_loop3A_210 = arith.constant 3 : i32
        %parallel_loop3A_211 = arith.index_cast %parallel_loop3A_209 : i32 to index
        %parallel_loop3A_212 = arith.index_cast %parallel_loop3A_183 : i32 to index
        %parallel_loop3A_213 = arith.index_cast %parallel_loop3A_210 : i32 to index
        %parallel_loop3A_214 = arith.index_cast %parallel_loop3A_187 : i32 to index
        %parallel_loop3A_215 = tpu.vector_load %arg6[%parallel_loop3A_211, %parallel_loop3A_212, %parallel_loop3A_213, %parallel_loop3A_214] {strides = array<i32>} : memref<2x32x4x128xf32, #tpu.memory_space<vmem>>, vector<16xf32>,
        %parallel_loop3A_216 = arith.mulf %parallel_loop3A_194, %parallel_loop3A_194 : vector<16xf32>
        %parallel_loop3A_217 = arith.mulf %parallel_loop3A_201, %parallel_loop3A_201 : vector<16xf32>
        %parallel_loop3A_218 = arith.mulf %parallel_loop3A_208, %parallel_loop3A_208 : vector<16xf32>
        %parallel_loop3A_219 = arith.addf %parallel_loop3A_217, %parallel_loop3A_218 : vector<16xf32>
        %parallel_loop3A_220 = arith.mulf %parallel_loop3A_215, %parallel_loop3A_215 : vector<16xf32>
        %parallel_loop3A_221 = arith.addf %parallel_loop3A_219, %parallel_loop3A_220 : vector<16xf32>
        %parallel_loop3A_222 = arith.addf %parallel_loop3A_221, %parallel_loop3A_216 : vector<16xf32>
        %parallel_loop3A_223 = tpu.bitcast %parallel_loop3A_222 : vector<16xf32> -> vector<16xi32>
        %parallel_loop3A_224 = arith.constant 1 : i32
        %parallel_loop3A_225 = vector.broadcast %parallel_loop3A_224 : i32 to vector<16xi32>
        %parallel_loop3A_226 = arith.shrsi %parallel_loop3A_223, %parallel_loop3A_225 : vector<16xi32>
        %parallel_loop3A_227 = arith.constant 1597463007 : i32
        %parallel_loop3A_228 = vector.broadcast %parallel_loop3A_227 : i32 to vector<16xi32>
        %parallel_loop3A_229 = arith.subi %parallel_loop3A_228, %parallel_loop3A_226 : vector<16xi32>
        %parallel_loop3A_230 = tpu.bitcast %parallel_loop3A_229 : vector<16xi32> -> vector<16xf32>
        %parallel_loop3A_231 = arith.constant 5.000000e-01 : f32
        %parallel_loop3A_232 = vector.broadcast %parallel_loop3A_231 : f32 to vector<16xf32>
        %parallel_loop3A_233 = arith.mulf %parallel_loop3A_232, %parallel_loop3A_222 : vector<16xf32>
        %parallel_loop3A_234 = arith.mulf %parallel_loop3A_233, %parallel_loop3A_230 : vector<16xf32>
        %parallel_loop3A_235 = arith.mulf %parallel_loop3A_234, %parallel_loop3A_230 : vector<16xf32>
        %parallel_loop3A_236 = arith.constant 1.500000e+00 : f32
        %parallel_loop3A_237 = vector.broadcast %parallel_loop3A_236 : f32 to vector<16xf32>
        %parallel_loop3A_238 = arith.subf %parallel_loop3A_237, %parallel_loop3A_235 : vector<16xf32>
        %parallel_loop3A_239 = arith.mulf %parallel_loop3A_230, %parallel_loop3A_238 : vector<16xf32>
        %parallel_loop3A_240 = arith.mulf %parallel_loop3A_233, %parallel_loop3A_239 : vector<16xf32>
        %parallel_loop3A_241 = arith.mulf %parallel_loop3A_240, %parallel_loop3A_239 : vector<16xf32>
        %parallel_loop3A_242 = arith.constant 1.500000e+00 : f32
        %parallel_loop3A_243 = vector.broadcast %parallel_loop3A_242 : f32 to vector<16xf32>
        %parallel_loop3A_244 = arith.subf %parallel_loop3A_243, %parallel_loop3A_241 : vector<16xf32>
        %parallel_loop3A_245 = arith.mulf %parallel_loop3A_239, %parallel_loop3A_244 : vector<16xf32>
        %parallel_loop3A_246 = arith.mulf %parallel_loop3A_222, %parallel_loop3A_245 : vector<16xf32>
        %parallel_loop3A_247 = arith.constant 9.99999997E-7 : f32
        %parallel_loop3A_248 = vector.broadcast %parallel_loop3A_247 : f32 to vector<16xf32>
        %parallel_loop3A_249 = arith.maximumf %parallel_loop3A_246, %parallel_loop3A_248 : vector<16xf32>
        %parallel_loop3A_250 = arith.constant 1.000000e+06 : f32
        %parallel_loop3A_251 = vector.broadcast %parallel_loop3A_250 : f32 to vector<16xf32>
        %parallel_loop3A_252 = arith.minimumf %parallel_loop3A_245, %parallel_loop3A_251 : vector<16xf32>
        %parallel_loop3A_253 = arith.mulf %parallel_loop3A_194, %parallel_loop3A_252 : vector<16xf32>
        %parallel_loop3A_254 = arith.cmpf olt, %parallel_loop3A_253, %gather3A_8 : vector<16xf32>
        %parallel_loop3A_255 = arith.constant 8 : i32
        %parallel_loop3A_256 = arith.constant 0 : i32
        %parallel_loop3A_257 = vector.broadcast %parallel_loop3A_255 : i32 to vector<16xi32>
        %parallel_loop3A_258 = vector.broadcast %parallel_loop3A_256 : i32 to vector<16xi32>
        %parallel_loop3A_259 = arith.select %parallel_loop3A_254, %parallel_loop3A_257, %parallel_loop3A_258 : vector<16xi1>, vector<16xi32>
        %parallel_loop3A_260 = arith.constant 4 : i32
        %parallel_loop3A_261 = vector.broadcast %parallel_loop3A_260 : i32 to vector<16xi32>
        %parallel_loop3A_262 = arith.addi %parallel_loop3A_259, %parallel_loop3A_261 : vector<16xi32>
        %parallel_loop3A_263 = vector.shape_cast %parallel_loop3A_262 : vector<16xi32> to vector<16x1xi32>
        %parallel_loop3A_264 = vector.shape_cast %parallel_loop3A_263 : vector<16x1xi32> to vector<16xi32>
        %parallel_loop3A_265 = tpu.dynamic_gather %get3A_3[%parallel_loop3A_264] in [0] : vector<16xf32>, vector<16xi32> -> vector<16xf32>
        %parallel_loop3A_266 = arith.cmpf olt, %parallel_loop3A_253, %parallel_loop3A_265 : vector<16xf32>
        %parallel_loop3A_267 = arith.constant 4 : i32
        %parallel_loop3A_268 = vector.broadcast %parallel_loop3A_267 : i32 to vector<16xi32>
        %parallel_loop3A_269 = arith.addi %parallel_loop3A_259, %parallel_loop3A_268 : vector<16xi32>
        %parallel_loop3A_270 = arith.select %parallel_loop3A_266, %parallel_loop3A_269, %parallel_loop3A_259 : vector<16xi1>, vector<16xi32>
        %parallel_loop3A_271 = arith.constant 2 : i32
        %parallel_loop3A_272 = vector.broadcast %parallel_loop3A_271 : i32 to vector<16xi32>
        %parallel_loop3A_273 = arith.addi %parallel_loop3A_270, %parallel_loop3A_272 : vector<16xi32>
        %parallel_loop3A_274 = vector.shape_cast %parallel_loop3A_273 : vector<16xi32> to vector<16x1xi32>
        %parallel_loop3A_275 = vector.shape_cast %parallel_loop3A_274 : vector<16x1xi32> to vector<16xi32>
        %parallel_loop3A_276 = tpu.dynamic_gather %get3A_3[%parallel_loop3A_275] in [0] : vector<16xf32>, vector<16xi32> -> vector<16xf32>
        %parallel_loop3A_277 = arith.cmpf olt, %parallel_loop3A_253, %parallel_loop3A_276 : vector<16xf32>
        %parallel_loop3A_278 = arith.constant 2 : i32
        %parallel_loop3A_279 = vector.broadcast %parallel_loop3A_278 : i32 to vector<16xi32>
        %parallel_loop3A_280 = arith.addi %parallel_loop3A_270, %parallel_loop3A_279 : vector<16xi32>
        %parallel_loop3A_281 = arith.select %parallel_loop3A_277, %parallel_loop3A_280, %parallel_loop3A_270 : vector<16xi1>, vector<16xi32>
        %parallel_loop3A_282 = arith.constant 1 : i32
        %parallel_loop3A_283 = vector.broadcast %parallel_loop3A_282 : i32 to vector<16xi32>
        %parallel_loop3A_284 = arith.addi %parallel_loop3A_281, %parallel_loop3A_283 : vector<16xi32>
        %parallel_loop3A_285 = vector.shape_cast %parallel_loop3A_284 : vector<16xi32> to vector<16x1xi32>
        %parallel_loop3A_286 = vector.shape_cast %parallel_loop3A_285 : vector<16x1xi32> to vector<16xi32>
        %parallel_loop3A_287 = tpu.dynamic_gather %get3A_3[%parallel_loop3A_286] in [0] : vector<16xf32>, vector<16xi32> -> vector<16xf32>
        %parallel_loop3A_288 = arith.cmpf olt, %parallel_loop3A_253, %parallel_loop3A_287 : vector<16xf32>
        %parallel_loop3A_289 = arith.constant 1 : i32
        %parallel_loop3A_290 = vector.broadcast %parallel_loop3A_289 : i32 to vector<16xi32>
        %parallel_loop3A_291 = arith.addi %parallel_loop3A_281, %parallel_loop3A_290 : vector<16xi32>
        %parallel_loop3A_292 = arith.select %parallel_loop3A_288, %parallel_loop3A_291, %parallel_loop3A_281 : vector<16xi1>, vector<16xi32>
        %parallel_loop3A_293 = tpu.vector_load_idx %arg8[%parallel_loop3A_292] : memref<16xf32, #tpu.memory_space<vmem>>[vector<16xi32>], vector<16xf32>,
        %parallel_loop3A_294 = tpu.vector_load_idx %arg9[%parallel_loop3A_292] : memref<16xf32, #tpu.memory_space<vmem>>[vector<16xi32>], vector<16xf32>,
        %parallel_loop3A_295 = tpu.bitcast %parallel_loop3A_221 : vector<16xf32> -> vector<16xi32>
        %parallel_loop3A_296 = arith.constant 1 : i32
        %parallel_loop3A_297 = vector.broadcast %parallel_loop3A_296 : i32 to vector<16xi32>
        %parallel_loop3A_298 = arith.shrsi %parallel_loop3A_295, %parallel_loop3A_297 : vector<16xi32>
        %parallel_loop3A_299 = arith.constant 1597463007 : i32
        %parallel_loop3A_300 = vector.broadcast %parallel_loop3A_299 : i32 to vector<16xi32>
        %parallel_loop3A_301 = arith.subi %parallel_loop3A_300, %parallel_loop3A_298 : vector<16xi32>
        %parallel_loop3A_302 = tpu.bitcast %parallel_loop3A_301 : vector<16xi32> -> vector<16xf32>
        %parallel_loop3A_303 = arith.constant 5.000000e-01 : f32
        %parallel_loop3A_304 = vector.broadcast %parallel_loop3A_303 : f32 to vector<16xf32>
        %parallel_loop3A_305 = arith.mulf %parallel_loop3A_304, %parallel_loop3A_221 : vector<16xf32>
        %parallel_loop3A_306 = arith.mulf %parallel_loop3A_305, %parallel_loop3A_302 : vector<16xf32>
        %parallel_loop3A_307 = arith.mulf %parallel_loop3A_306, %parallel_loop3A_302 : vector<16xf32>
        %parallel_loop3A_308 = arith.constant 1.500000e+00 : f32
        %parallel_loop3A_309 = vector.broadcast %parallel_loop3A_308 : f32 to vector<16xf32>
        %parallel_loop3A_310 = arith.subf %parallel_loop3A_309, %parallel_loop3A_307 : vector<16xf32>
        %parallel_loop3A_311 = arith.mulf %parallel_loop3A_302, %parallel_loop3A_310 : vector<16xf32>
        %parallel_loop3A_312 = arith.mulf %parallel_loop3A_249, %parallel_loop3A_311 : vector<16xf32>
        %parallel_loop3A_313 = arith.mulf %parallel_loop3A_294, %parallel_loop3A_312 : vector<16xf32>
        %parallel_loop3A_314 = arith.mulf %parallel_loop3A_293, %parallel_loop3A_249 : vector<16xf32>
        %parallel_loop3A_315 = arith.constant 0 : i32
        %parallel_loop3A_316 = arith.constant 0 : i32
        %parallel_loop3A_317 = arith.index_cast %parallel_loop3A_315 : i32 to index
        %parallel_loop3A_318 = arith.index_cast %parallel_loop3A_183 : i32 to index
        %parallel_loop3A_319 = arith.index_cast %parallel_loop3A_316 : i32 to index
        %parallel_loop3A_320 = arith.index_cast %parallel_loop3A_187 : i32 to index
        %parallel_loop3A_321 = tpu.vector_load %arg7[%parallel_loop3A_317, %parallel_loop3A_318, %parallel_loop3A_319, %parallel_loop3A_320] {strides = array<i32>} : memref<2x32x4x128xf32, #tpu.memory_space<vmem>>, vector<16xf32>,
        tpu.vector_store %arg7[%parallel_loop3A_317, %parallel_loop3A_318, %parallel_loop3A_319, %parallel_loop3A_320], %parallel_loop3A_314 {strides = array<i32>} : memref<2x32x4x128xf32, #tpu.memory_space<vmem>>, vector<16xf32>,
        %parallel_loop3A_322 = arith.mulf %parallel_loop3A_201, %parallel_loop3A_313 : vector<16xf32>
        %parallel_loop3A_323 = arith.constant 0 : i32
        %parallel_loop3A_324 = arith.constant 1 : i32
        %parallel_loop3A_325 = arith.index_cast %parallel_loop3A_323 : i32 to index
        %parallel_loop3A_326 = arith.index_cast %parallel_loop3A_183 : i32 to index
        %parallel_loop3A_327 = arith.index_cast %parallel_loop3A_324 : i32 to index
        %parallel_loop3A_328 = arith.index_cast %parallel_loop3A_187 : i32 to index
        %parallel_loop3A_329 = tpu.vector_load %arg7[%parallel_loop3A_325, %parallel_loop3A_326, %parallel_loop3A_327, %parallel_loop3A_328] {strides = array<i32>} : memref<2x32x4x128xf32, #tpu.memory_space<vmem>>, vector<16xf32>,
        tpu.vector_store %arg7[%parallel_loop3A_325, %parallel_loop3A_326, %parallel_loop3A_327, %parallel_loop3A_328], %parallel_loop3A_322 {strides = array<i32>} : memref<2x32x4x128xf32, #tpu.memory_space<vmem>>, vector<16xf32>,
        %parallel_loop3A_330 = arith.mulf %parallel_loop3A_208, %parallel_loop3A_313 : vector<16xf32>
        %parallel_loop3A_331 = arith.constant 0 : i32
        %parallel_loop3A_332 = arith.constant 2 : i32
        %parallel_loop3A_333 = arith.index_cast %parallel_loop3A_331 : i32 to index
        %parallel_loop3A_334 = arith.index_cast %parallel_loop3A_183 : i32 to index
        %parallel_loop3A_335 = arith.index_cast %parallel_loop3A_332 : i32 to index
        %parallel_loop3A_336 = arith.index_cast %parallel_loop3A_187 : i32 to index
        %parallel_loop3A_337 = tpu.vector_load %arg7[%parallel_loop3A_333, %parallel_loop3A_334, %parallel_loop3A_335, %parallel_loop3A_336] {strides = array<i32>} : memref<2x32x4x128xf32, #tpu.memory_space<vmem>>, vector<16xf32>,
        tpu.vector_store %arg7[%parallel_loop3A_333, %parallel_loop3A_334, %parallel_loop3A_335, %parallel_loop3A_336], %parallel_loop3A_330 {strides = array<i32>} : memref<2x32x4x128xf32, #tpu.memory_space<vmem>>, vector<16xf32>,
        %parallel_loop3A_338 = arith.mulf %parallel_loop3A_215, %parallel_loop3A_313 : vector<16xf32>
        %parallel_loop3A_339 = arith.constant 0 : i32
        %parallel_loop3A_340 = arith.constant 3 : i32
        %parallel_loop3A_341 = arith.index_cast %parallel_loop3A_339 : i32 to index
        %parallel_loop3A_342 = arith.index_cast %parallel_loop3A_183 : i32 to index
        %parallel_loop3A_343 = arith.index_cast %parallel_loop3A_340 : i32 to index
        %parallel_loop3A_344 = arith.index_cast %parallel_loop3A_187 : i32 to index
        %parallel_loop3A_345 = tpu.vector_load %arg7[%parallel_loop3A_341, %parallel_loop3A_342, %parallel_loop3A_343, %parallel_loop3A_344] {strides = array<i32>} : memref<2x32x4x128xf32, #tpu.memory_space<vmem>>, vector<16xf32>,
        tpu.vector_store %arg7[%parallel_loop3A_341, %parallel_loop3A_342, %parallel_loop3A_343, %parallel_loop3A_344], %parallel_loop3A_338 {strides = array<i32>} : memref<2x32x4x128xf32, #tpu.memory_space<vmem>>, vector<16xf32>,
      } {sc.loop_unroll_factor = 2 : i64, sc.parallel_access}
      %mul3A_104 = arith.constant 32 : i32
      %mul3A_105 = arith.muli %add3A_73, %mul3A_104 : i32
      %add3A_106 = arith.addi %mul3A_2, %mul3A_105 : i32
      %dma_start3A_107 = arith.constant 0 : i32
      %dma_start3A_108 = arith.constant 0 : i32
      %dma_start3A_109 = arith.constant 0 : i32
      %dma_start3A_110 = arith.constant 0 : i32
      %dma_start3A_111 = tpu.memref_slice %arg7[%dma_start3A_107, %dma_start3A_108, %dma_start3A_109, %dma_start3A_110] : memref<2x32x4x128xf32, #tpu.memory_space<vmem>> -> memref<1x32x4x128xf32, #tpu.memory_space<vmem>>
      %dma_start3A_112 = tpu.memref_squeeze %dma_start3A_111 : memref<1x32x4x128xf32, #tpu.memory_space<vmem>> -> memref<32x4x128xf32, #tpu.memory_space<vmem>>
      %dma_start3A_113 = arith.constant 0 : i32
      %dma_start3A_114 = arith.constant 0 : i32
      %dma_start3A_115 = tpu.memref_slice %arg5[%add3A_106, %dma_start3A_113, %dma_start3A_114] : memref<65536x4x128xf32, #tpu.memory_space<hbm>> -> memref<32x4x128xf32, #tpu.memory_space<hbm>>
      %dma_start3A_116 = arith.constant 0 : i32
      %dma_start3A_117 = arith.constant 0 : i32
      %dma_start3A_118 = tpu.memref_slice %arg5[%add3A_106, %dma_start3A_116, %dma_start3A_117] : memref<65536x4x128xf32, #tpu.memory_space<hbm>> -> memref<32x4x128xf32, #tpu.memory_space<hbm>>
      %dma_start3A_119 = arith.constant 0 : i32
      %dma_start3A_120 = arith.constant 0 : i32
      %dma_start3A_121 = arith.constant 0 : i32
      %dma_start3A_122 = tpu.memref_slice %arg7[%dma_start3A_107, %dma_start3A_119, %dma_start3A_120, %dma_start3A_121] : memref<2x32x4x128xf32, #tpu.memory_space<vmem>> -> memref<1x32x4x128xf32, #tpu.memory_space<vmem>>
      %dma_start3A_123 = tpu.memref_squeeze %dma_start3A_122 : memref<1x32x4x128xf32, #tpu.memory_space<vmem>> -> memref<32x4x128xf32, #tpu.memory_space<vmem>>
      tpu.enqueue_dma source(%dma_start3A_123 : memref<32x4x128xf32, #tpu.memory_space<vmem>>) target(%dma_start3A_118 : memref<32x4x128xf32, #tpu.memory_space<hbm>>) target_semaphore(%arg12 : memref<!tpu.dma_semaphore, #tpu.memory_space<semaphore_mem>>)
      %add3A_124 = arith.constant 1 : i32
      %add3A_125 = arith.addi %mul3A_71, %add3A_124 : i32
      %add3A_126 = arith.constant 1 : i32
      %add3A_127 = arith.addi %add3A_125, %add3A_126 : i32
      %lt3A_128 = arith.constant 64 : i32
      %lt3A_129 = arith.cmpi slt, %add3A_127, %lt3A_128 : i32
      %convert_element_type3A_130 = arith.extui %lt3A_129 : i1 to i32
      %cond3A_131 = arith.constant 0 : i32
      %cond3A_132 = arith.cmpi ne, %convert_element_type3A_130, %cond3A_131 : i32
      scf.if %cond3A_132 {
        %add3A_181 = arith.constant 1 : i32
        %add3A_182 = arith.addi %add3A_125, %add3A_181 : i32
        %mul3A_183 = arith.constant 32 : i32
        %mul3A_184 = arith.muli %add3A_182, %mul3A_183 : i32
        %add3A_185 = arith.addi %mul3A_2, %mul3A_184 : i32
        %dma_start3A_186 = arith.constant 0 : i32
        %dma_start3A_187 = arith.constant 0 : i32
        %dma_start3A_188 = arith.constant 0 : i32
        %dma_start3A_189 = arith.constant 0 : i32
        %dma_start3A_190 = tpu.memref_slice %arg6[%dma_start3A_186, %dma_start3A_187, %dma_start3A_188, %dma_start3A_189] : memref<2x32x4x128xf32, #tpu.memory_space<vmem>> -> memref<1x32x4x128xf32, #tpu.memory_space<vmem>>
        %dma_start3A_191 = tpu.memref_squeeze %dma_start3A_190 : memref<1x32x4x128xf32, #tpu.memory_space<vmem>> -> memref<32x4x128xf32, #tpu.memory_space<vmem>>
        %dma_start3A_192 = arith.constant 0 : i32
        %dma_start3A_193 = arith.constant 0 : i32
        %dma_start3A_194 = tpu.memref_slice %arg2[%add3A_185, %dma_start3A_192, %dma_start3A_193] : memref<65536x4x128xf32, #tpu.memory_space<hbm>> -> memref<32x4x128xf32, #tpu.memory_space<hbm>>
        %dma_start3A_195 = arith.constant 0 : i32
        %dma_start3A_196 = arith.constant 0 : i32
        %dma_start3A_197 = arith.constant 0 : i32
        %dma_start3A_198 = tpu.memref_slice %arg6[%dma_start3A_186, %dma_start3A_195, %dma_start3A_196, %dma_start3A_197] : memref<2x32x4x128xf32, #tpu.memory_space<vmem>> -> memref<1x32x4x128xf32, #tpu.memory_space<vmem>>
        %dma_start3A_199 = tpu.memref_squeeze %dma_start3A_198 : memref<1x32x4x128xf32, #tpu.memory_space<vmem>> -> memref<32x4x128xf32, #tpu.memory_space<vmem>>
        %dma_start3A_200 = arith.constant 0 : i32
        %dma_start3A_201 = arith.constant 0 : i32
        %dma_start3A_202 = tpu.memref_slice %arg2[%add3A_185, %dma_start3A_200, %dma_start3A_201] : memref<65536x4x128xf32, #tpu.memory_space<hbm>> -> memref<32x4x128xf32, #tpu.memory_space<hbm>>
        tpu.enqueue_dma source(%dma_start3A_202 : memref<32x4x128xf32, #tpu.memory_space<hbm>>) target(%dma_start3A_199 : memref<32x4x128xf32, #tpu.memory_space<vmem>>) target_semaphore(%arg10 : memref<!tpu.dma_semaphore, #tpu.memory_space<semaphore_mem>>)
      } else {
      }
      %mul3A_133 = arith.constant 32 : i32
      %mul3A_134 = arith.muli %add3A_125, %mul3A_133 : i32
      %add3A_135 = arith.addi %mul3A_2, %mul3A_134 : i32
      %dma_wait3A_136 = arith.constant 1 : i32
      %dma_wait3A_137 = arith.constant 0 : i32
      %dma_wait3A_138 = arith.constant 0 : i32
      %dma_wait3A_139 = arith.constant 0 : i32
      %dma_wait3A_140 = tpu.memref_slice %arg6[%dma_wait3A_136, %dma_wait3A_137, %dma_wait3A_138, %dma_wait3A_139] : memref<2x32x4x128xf32, #tpu.memory_space<vmem>> -> memref<1x32x4x128xf32, #tpu.memory_space<vmem>>
      %dma_wait3A_141 = tpu.memref_squeeze %dma_wait3A_140 : memref<1x32x4x128xf32, #tpu.memory_space<vmem>> -> memref<32x4x128xf32, #tpu.memory_space<vmem>>
      %dma_wait3A_142 = arith.constant 0 : i32
      %dma_wait3A_143 = arith.constant 0 : i32
      %dma_wait3A_144 = tpu.memref_slice %arg2[%add3A_135, %dma_wait3A_142, %dma_wait3A_143] : memref<65536x4x128xf32, #tpu.memory_space<hbm>> -> memref<32x4x128xf32, #tpu.memory_space<hbm>>
      %dma_wait3A_145 = arith.constant 0 : i32
      %dma_wait3A_146 = arith.constant 0 : i32
      %dma_wait3A_147 = arith.constant 0 : i32
      %dma_wait3A_148 = tpu.memref_slice %arg6[%dma_wait3A_136, %dma_wait3A_145, %dma_wait3A_146, %dma_wait3A_147] : memref<2x32x4x128xf32, #tpu.memory_space<vmem>> -> memref<1x32x4x128xf32, #tpu.memory_space<vmem>>
      %dma_wait3A_149 = tpu.memref_squeeze %dma_wait3A_148 : memref<1x32x4x128xf32, #tpu.memory_space<vmem>> -> memref<32x4x128xf32, #tpu.memory_space<vmem>>
      %dma_wait3A_150 = arith.constant 0 : i32
      %dma_wait3A_151 = arith.constant 0 : i32
      %dma_wait3A_152 = tpu.memref_slice %arg2[%add3A_135, %dma_wait3A_150, %dma_wait3A_151] : memref<65536x4x128xf32, #tpu.memory_space<hbm>> -> memref<32x4x128xf32, #tpu.memory_space<hbm>>
      tpu.wait_dma2 semaphore(%arg11 : memref<!tpu.dma_semaphore, #tpu.memory_space<semaphore_mem>>) src(%dma_wait3A_152 : memref<32x4x128xf32, #tpu.memory_space<hbm>>) dst(%dma_wait3A_149 : memref<32x4x128xf32, #tpu.memory_space<vmem>>)
      %ge3A_153 = arith.constant 2 : i32
      %ge3A_154 = arith.cmpi sge, %add3A_125, %ge3A_153 : i32
      %convert_element_type3A_155 = arith.extui %ge3A_154 : i1 to i32
      %cond3A_156 = arith.constant 0 : i32
      %cond3A_157 = arith.cmpi ne, %convert_element_type3A_155, %cond3A_156 : i32
      scf.if %cond3A_157 {
        %sub3A = arith.constant 2 : i32
        %sub3A_181 = arith.subi %add3A_125, %sub3A : i32
        %mul3A_182 = arith.constant 32 : i32
        %mul3A_183 = arith.muli %sub3A_181, %mul3A_182 : i32
        %add3A_184 = arith.addi %mul3A_2, %mul3A_183 : i32
        %dma_wait3A_185 = arith.constant 1 : i32
        %dma_wait3A_186 = arith.constant 0 : i32
        %dma_wait3A_187 = arith.constant 0 : i32
        %dma_wait3A_188 = arith.constant 0 : i32
        %dma_wait3A_189 = tpu.memref_slice %arg7[%dma_wait3A_185, %dma_wait3A_186, %dma_wait3A_187, %dma_wait3A_188] : memref<2x32x4x128xf32, #tpu.memory_space<vmem>> -> memref<1x32x4x128xf32, #tpu.memory_space<vmem>>
        %dma_wait3A_190 = tpu.memref_squeeze %dma_wait3A_189 : memref<1x32x4x128xf32, #tpu.memory_space<vmem>> -> memref<32x4x128xf32, #tpu.memory_space<vmem>>
        %dma_wait3A_191 = arith.constant 0 : i32
        %dma_wait3A_192 = arith.constant 0 : i32
        %dma_wait3A_193 = tpu.memref_slice %arg5[%add3A_184, %dma_wait3A_191, %dma_wait3A_192] : memref<65536x4x128xf32, #tpu.memory_space<hbm>> -> memref<32x4x128xf32, #tpu.memory_space<hbm>>
        %dma_wait3A_194 = arith.constant 0 : i32
        %dma_wait3A_195 = arith.constant 0 : i32
        %dma_wait3A_196 = tpu.memref_slice %arg5[%add3A_184, %dma_wait3A_194, %dma_wait3A_195] : memref<65536x4x128xf32, #tpu.memory_space<hbm>> -> memref<32x4x128xf32, #tpu.memory_space<hbm>>
        %dma_wait3A_197 = arith.constant 0 : i32
        %dma_wait3A_198 = arith.constant 0 : i32
        %dma_wait3A_199 = arith.constant 0 : i32
        %dma_wait3A_200 = tpu.memref_slice %arg7[%dma_wait3A_185, %dma_wait3A_197, %dma_wait3A_198, %dma_wait3A_199] : memref<2x32x4x128xf32, #tpu.memory_space<vmem>> -> memref<1x32x4x128xf32, #tpu.memory_space<vmem>>
        %dma_wait3A_201 = tpu.memref_squeeze %dma_wait3A_200 : memref<1x32x4x128xf32, #tpu.memory_space<vmem>> -> memref<32x4x128xf32, #tpu.memory_space<vmem>>
        tpu.wait_dma2 semaphore(%arg13 : memref<!tpu.dma_semaphore, #tpu.memory_space<semaphore_mem>>) src(%dma_wait3A_201 : memref<32x4x128xf32, #tpu.memory_space<vmem>>) dst(%dma_wait3A_196 : memref<32x4x128xf32, #tpu.memory_space<hbm>>)
      } else {
      }
      %parallel_loop3A_158 = arith.constant 0 : i32
      %parallel_loop3A_159 = arith.constant 256 : i32
      %parallel_loop3A_160 = arith.constant 1 : i32
      scf.for %parallel_loop3A_181 = %parallel_loop3A_158 to %parallel_loop3A_159 step %parallel_loop3A_160  : i32 {
        %parallel_loop3A_182 = arith.constant 3 : i32
        %parallel_loop3A_183 = arith.shrsi %parallel_loop3A_181, %parallel_loop3A_182 : i32
        %parallel_loop3A_184 = arith.constant 7 : i32
        %parallel_loop3A_185 = arith.andi %parallel_loop3A_181, %parallel_loop3A_184 : i32
        %parallel_loop3A_186 = arith.constant 16 : i32
        %parallel_loop3A_187 = arith.muli %parallel_loop3A_185, %parallel_loop3A_186 : i32
        %parallel_loop3A_188 = arith.constant 1 : i32
        %parallel_loop3A_189 = arith.constant 0 : i32
        %parallel_loop3A_190 = arith.index_cast %parallel_loop3A_188 : i32 to index
        %parallel_loop3A_191 = arith.index_cast %parallel_loop3A_183 : i32 to index
        %parallel_loop3A_192 = arith.index_cast %parallel_loop3A_189 : i32 to index
        %parallel_loop3A_193 = arith.index_cast %parallel_loop3A_187 : i32 to index
        %parallel_loop3A_194 = tpu.vector_load %arg6[%parallel_loop3A_190, %parallel_loop3A_191, %parallel_loop3A_192, %parallel_loop3A_193] {strides = array<i32>} : memref<2x32x4x128xf32, #tpu.memory_space<vmem>>, vector<16xf32>,
        %parallel_loop3A_195 = arith.constant 1 : i32
        %parallel_loop3A_196 = arith.constant 1 : i32
        %parallel_loop3A_197 = arith.index_cast %parallel_loop3A_195 : i32 to index
        %parallel_loop3A_198 = arith.index_cast %parallel_loop3A_183 : i32 to index
        %parallel_loop3A_199 = arith.index_cast %parallel_loop3A_196 : i32 to index
        %parallel_loop3A_200 = arith.index_cast %parallel_loop3A_187 : i32 to index
        %parallel_loop3A_201 = tpu.vector_load %arg6[%parallel_loop3A_197, %parallel_loop3A_198, %parallel_loop3A_199, %parallel_loop3A_200] {strides = array<i32>} : memref<2x32x4x128xf32, #tpu.memory_space<vmem>>, vector<16xf32>,
        %parallel_loop3A_202 = arith.constant 1 : i32
        %parallel_loop3A_203 = arith.constant 2 : i32
        %parallel_loop3A_204 = arith.index_cast %parallel_loop3A_202 : i32 to index
        %parallel_loop3A_205 = arith.index_cast %parallel_loop3A_183 : i32 to index
        %parallel_loop3A_206 = arith.index_cast %parallel_loop3A_203 : i32 to index
        %parallel_loop3A_207 = arith.index_cast %parallel_loop3A_187 : i32 to index
        %parallel_loop3A_208 = tpu.vector_load %arg6[%parallel_loop3A_204, %parallel_loop3A_205, %parallel_loop3A_206, %parallel_loop3A_207] {strides = array<i32>} : memref<2x32x4x128xf32, #tpu.memory_space<vmem>>, vector<16xf32>,
        %parallel_loop3A_209 = arith.constant 1 : i32
        %parallel_loop3A_210 = arith.constant 3 : i32
        %parallel_loop3A_211 = arith.index_cast %parallel_loop3A_209 : i32 to index
        %parallel_loop3A_212 = arith.index_cast %parallel_loop3A_183 : i32 to index
        %parallel_loop3A_213 = arith.index_cast %parallel_loop3A_210 : i32 to index
        %parallel_loop3A_214 = arith.index_cast %parallel_loop3A_187 : i32 to index
        %parallel_loop3A_215 = tpu.vector_load %arg6[%parallel_loop3A_211, %parallel_loop3A_212, %parallel_loop3A_213, %parallel_loop3A_214] {strides = array<i32>} : memref<2x32x4x128xf32, #tpu.memory_space<vmem>>, vector<16xf32>,
        %parallel_loop3A_216 = arith.mulf %parallel_loop3A_194, %parallel_loop3A_194 : vector<16xf32>
        %parallel_loop3A_217 = arith.mulf %parallel_loop3A_201, %parallel_loop3A_201 : vector<16xf32>
        %parallel_loop3A_218 = arith.mulf %parallel_loop3A_208, %parallel_loop3A_208 : vector<16xf32>
        %parallel_loop3A_219 = arith.addf %parallel_loop3A_217, %parallel_loop3A_218 : vector<16xf32>
        %parallel_loop3A_220 = arith.mulf %parallel_loop3A_215, %parallel_loop3A_215 : vector<16xf32>
        %parallel_loop3A_221 = arith.addf %parallel_loop3A_219, %parallel_loop3A_220 : vector<16xf32>
        %parallel_loop3A_222 = arith.addf %parallel_loop3A_221, %parallel_loop3A_216 : vector<16xf32>
        %parallel_loop3A_223 = tpu.bitcast %parallel_loop3A_222 : vector<16xf32> -> vector<16xi32>
        %parallel_loop3A_224 = arith.constant 1 : i32
        %parallel_loop3A_225 = vector.broadcast %parallel_loop3A_224 : i32 to vector<16xi32>
        %parallel_loop3A_226 = arith.shrsi %parallel_loop3A_223, %parallel_loop3A_225 : vector<16xi32>
        %parallel_loop3A_227 = arith.constant 1597463007 : i32
        %parallel_loop3A_228 = vector.broadcast %parallel_loop3A_227 : i32 to vector<16xi32>
        %parallel_loop3A_229 = arith.subi %parallel_loop3A_228, %parallel_loop3A_226 : vector<16xi32>
        %parallel_loop3A_230 = tpu.bitcast %parallel_loop3A_229 : vector<16xi32> -> vector<16xf32>
        %parallel_loop3A_231 = arith.constant 5.000000e-01 : f32
        %parallel_loop3A_232 = vector.broadcast %parallel_loop3A_231 : f32 to vector<16xf32>
        %parallel_loop3A_233 = arith.mulf %parallel_loop3A_232, %parallel_loop3A_222 : vector<16xf32>
        %parallel_loop3A_234 = arith.mulf %parallel_loop3A_233, %parallel_loop3A_230 : vector<16xf32>
        %parallel_loop3A_235 = arith.mulf %parallel_loop3A_234, %parallel_loop3A_230 : vector<16xf32>
        %parallel_loop3A_236 = arith.constant 1.500000e+00 : f32
        %parallel_loop3A_237 = vector.broadcast %parallel_loop3A_236 : f32 to vector<16xf32>
        %parallel_loop3A_238 = arith.subf %parallel_loop3A_237, %parallel_loop3A_235 : vector<16xf32>
        %parallel_loop3A_239 = arith.mulf %parallel_loop3A_230, %parallel_loop3A_238 : vector<16xf32>
        %parallel_loop3A_240 = arith.mulf %parallel_loop3A_233, %parallel_loop3A_239 : vector<16xf32>
        %parallel_loop3A_241 = arith.mulf %parallel_loop3A_240, %parallel_loop3A_239 : vector<16xf32>
        %parallel_loop3A_242 = arith.constant 1.500000e+00 : f32
        %parallel_loop3A_243 = vector.broadcast %parallel_loop3A_242 : f32 to vector<16xf32>
        %parallel_loop3A_244 = arith.subf %parallel_loop3A_243, %parallel_loop3A_241 : vector<16xf32>
        %parallel_loop3A_245 = arith.mulf %parallel_loop3A_239, %parallel_loop3A_244 : vector<16xf32>
        %parallel_loop3A_246 = arith.mulf %parallel_loop3A_222, %parallel_loop3A_245 : vector<16xf32>
        %parallel_loop3A_247 = arith.constant 9.99999997E-7 : f32
        %parallel_loop3A_248 = vector.broadcast %parallel_loop3A_247 : f32 to vector<16xf32>
        %parallel_loop3A_249 = arith.maximumf %parallel_loop3A_246, %parallel_loop3A_248 : vector<16xf32>
        %parallel_loop3A_250 = arith.constant 1.000000e+06 : f32
        %parallel_loop3A_251 = vector.broadcast %parallel_loop3A_250 : f32 to vector<16xf32>
        %parallel_loop3A_252 = arith.minimumf %parallel_loop3A_245, %parallel_loop3A_251 : vector<16xf32>
        %parallel_loop3A_253 = arith.mulf %parallel_loop3A_194, %parallel_loop3A_252 : vector<16xf32>
        %parallel_loop3A_254 = arith.cmpf olt, %parallel_loop3A_253, %gather3A_8 : vector<16xf32>
        %parallel_loop3A_255 = arith.constant 8 : i32
        %parallel_loop3A_256 = arith.constant 0 : i32
        %parallel_loop3A_257 = vector.broadcast %parallel_loop3A_255 : i32 to vector<16xi32>
        %parallel_loop3A_258 = vector.broadcast %parallel_loop3A_256 : i32 to vector<16xi32>
        %parallel_loop3A_259 = arith.select %parallel_loop3A_254, %parallel_loop3A_257, %parallel_loop3A_258 : vector<16xi1>, vector<16xi32>
        %parallel_loop3A_260 = arith.constant 4 : i32
        %parallel_loop3A_261 = vector.broadcast %parallel_loop3A_260 : i32 to vector<16xi32>
        %parallel_loop3A_262 = arith.addi %parallel_loop3A_259, %parallel_loop3A_261 : vector<16xi32>
        %parallel_loop3A_263 = vector.shape_cast %parallel_loop3A_262 : vector<16xi32> to vector<16x1xi32>
        %parallel_loop3A_264 = vector.shape_cast %parallel_loop3A_263 : vector<16x1xi32> to vector<16xi32>
        %parallel_loop3A_265 = tpu.dynamic_gather %get3A_3[%parallel_loop3A_264] in [0] : vector<16xf32>, vector<16xi32> -> vector<16xf32>
        %parallel_loop3A_266 = arith.cmpf olt, %parallel_loop3A_253, %parallel_loop3A_265 : vector<16xf32>
        %parallel_loop3A_267 = arith.constant 4 : i32
        %parallel_loop3A_268 = vector.broadcast %parallel_loop3A_267 : i32 to vector<16xi32>
        %parallel_loop3A_269 = arith.addi %parallel_loop3A_259, %parallel_loop3A_268 : vector<16xi32>
        %parallel_loop3A_270 = arith.select %parallel_loop3A_266, %parallel_loop3A_269, %parallel_loop3A_259 : vector<16xi1>, vector<16xi32>
        %parallel_loop3A_271 = arith.constant 2 : i32
        %parallel_loop3A_272 = vector.broadcast %parallel_loop3A_271 : i32 to vector<16xi32>
        %parallel_loop3A_273 = arith.addi %parallel_loop3A_270, %parallel_loop3A_272 : vector<16xi32>
        %parallel_loop3A_274 = vector.shape_cast %parallel_loop3A_273 : vector<16xi32> to vector<16x1xi32>
        %parallel_loop3A_275 = vector.shape_cast %parallel_loop3A_274 : vector<16x1xi32> to vector<16xi32>
        %parallel_loop3A_276 = tpu.dynamic_gather %get3A_3[%parallel_loop3A_275] in [0] : vector<16xf32>, vector<16xi32> -> vector<16xf32>
        %parallel_loop3A_277 = arith.cmpf olt, %parallel_loop3A_253, %parallel_loop3A_276 : vector<16xf32>
        %parallel_loop3A_278 = arith.constant 2 : i32
        %parallel_loop3A_279 = vector.broadcast %parallel_loop3A_278 : i32 to vector<16xi32>
        %parallel_loop3A_280 = arith.addi %parallel_loop3A_270, %parallel_loop3A_279 : vector<16xi32>
        %parallel_loop3A_281 = arith.select %parallel_loop3A_277, %parallel_loop3A_280, %parallel_loop3A_270 : vector<16xi1>, vector<16xi32>
        %parallel_loop3A_282 = arith.constant 1 : i32
        %parallel_loop3A_283 = vector.broadcast %parallel_loop3A_282 : i32 to vector<16xi32>
        %parallel_loop3A_284 = arith.addi %parallel_loop3A_281, %parallel_loop3A_283 : vector<16xi32>
        %parallel_loop3A_285 = vector.shape_cast %parallel_loop3A_284 : vector<16xi32> to vector<16x1xi32>
        %parallel_loop3A_286 = vector.shape_cast %parallel_loop3A_285 : vector<16x1xi32> to vector<16xi32>
        %parallel_loop3A_287 = tpu.dynamic_gather %get3A_3[%parallel_loop3A_286] in [0] : vector<16xf32>, vector<16xi32> -> vector<16xf32>
        %parallel_loop3A_288 = arith.cmpf olt, %parallel_loop3A_253, %parallel_loop3A_287 : vector<16xf32>
        %parallel_loop3A_289 = arith.constant 1 : i32
        %parallel_loop3A_290 = vector.broadcast %parallel_loop3A_289 : i32 to vector<16xi32>
        %parallel_loop3A_291 = arith.addi %parallel_loop3A_281, %parallel_loop3A_290 : vector<16xi32>
        %parallel_loop3A_292 = arith.select %parallel_loop3A_288, %parallel_loop3A_291, %parallel_loop3A_281 : vector<16xi1>, vector<16xi32>
        %parallel_loop3A_293 = tpu.vector_load_idx %arg8[%parallel_loop3A_292] : memref<16xf32, #tpu.memory_space<vmem>>[vector<16xi32>], vector<16xf32>,
        %parallel_loop3A_294 = tpu.vector_load_idx %arg9[%parallel_loop3A_292] : memref<16xf32, #tpu.memory_space<vmem>>[vector<16xi32>], vector<16xf32>,
        %parallel_loop3A_295 = tpu.bitcast %parallel_loop3A_221 : vector<16xf32> -> vector<16xi32>
        %parallel_loop3A_296 = arith.constant 1 : i32
        %parallel_loop3A_297 = vector.broadcast %parallel_loop3A_296 : i32 to vector<16xi32>
        %parallel_loop3A_298 = arith.shrsi %parallel_loop3A_295, %parallel_loop3A_297 : vector<16xi32>
        %parallel_loop3A_299 = arith.constant 1597463007 : i32
        %parallel_loop3A_300 = vector.broadcast %parallel_loop3A_299 : i32 to vector<16xi32>
        %parallel_loop3A_301 = arith.subi %parallel_loop3A_300, %parallel_loop3A_298 : vector<16xi32>
        %parallel_loop3A_302 = tpu.bitcast %parallel_loop3A_301 : vector<16xi32> -> vector<16xf32>
        %parallel_loop3A_303 = arith.constant 5.000000e-01 : f32
        %parallel_loop3A_304 = vector.broadcast %parallel_loop3A_303 : f32 to vector<16xf32>
        %parallel_loop3A_305 = arith.mulf %parallel_loop3A_304, %parallel_loop3A_221 : vector<16xf32>
        %parallel_loop3A_306 = arith.mulf %parallel_loop3A_305, %parallel_loop3A_302 : vector<16xf32>
        %parallel_loop3A_307 = arith.mulf %parallel_loop3A_306, %parallel_loop3A_302 : vector<16xf32>
        %parallel_loop3A_308 = arith.constant 1.500000e+00 : f32
        %parallel_loop3A_309 = vector.broadcast %parallel_loop3A_308 : f32 to vector<16xf32>
        %parallel_loop3A_310 = arith.subf %parallel_loop3A_309, %parallel_loop3A_307 : vector<16xf32>
        %parallel_loop3A_311 = arith.mulf %parallel_loop3A_302, %parallel_loop3A_310 : vector<16xf32>
        %parallel_loop3A_312 = arith.mulf %parallel_loop3A_249, %parallel_loop3A_311 : vector<16xf32>
        %parallel_loop3A_313 = arith.mulf %parallel_loop3A_294, %parallel_loop3A_312 : vector<16xf32>
        %parallel_loop3A_314 = arith.mulf %parallel_loop3A_293, %parallel_loop3A_249 : vector<16xf32>
        %parallel_loop3A_315 = arith.constant 1 : i32
        %parallel_loop3A_316 = arith.constant 0 : i32
        %parallel_loop3A_317 = arith.index_cast %parallel_loop3A_315 : i32 to index
        %parallel_loop3A_318 = arith.index_cast %parallel_loop3A_183 : i32 to index
        %parallel_loop3A_319 = arith.index_cast %parallel_loop3A_316 : i32 to index
        %parallel_loop3A_320 = arith.index_cast %parallel_loop3A_187 : i32 to index
        %parallel_loop3A_321 = tpu.vector_load %arg7[%parallel_loop3A_317, %parallel_loop3A_318, %parallel_loop3A_319, %parallel_loop3A_320] {strides = array<i32>} : memref<2x32x4x128xf32, #tpu.memory_space<vmem>>, vector<16xf32>,
        tpu.vector_store %arg7[%parallel_loop3A_317, %parallel_loop3A_318, %parallel_loop3A_319, %parallel_loop3A_320], %parallel_loop3A_314 {strides = array<i32>} : memref<2x32x4x128xf32, #tpu.memory_space<vmem>>, vector<16xf32>,
        %parallel_loop3A_322 = arith.mulf %parallel_loop3A_201, %parallel_loop3A_313 : vector<16xf32>
        %parallel_loop3A_323 = arith.constant 1 : i32
        %parallel_loop3A_324 = arith.constant 1 : i32
        %parallel_loop3A_325 = arith.index_cast %parallel_loop3A_323 : i32 to index
        %parallel_loop3A_326 = arith.index_cast %parallel_loop3A_183 : i32 to index
        %parallel_loop3A_327 = arith.index_cast %parallel_loop3A_324 : i32 to index
        %parallel_loop3A_328 = arith.index_cast %parallel_loop3A_187 : i32 to index
        %parallel_loop3A_329 = tpu.vector_load %arg7[%parallel_loop3A_325, %parallel_loop3A_326, %parallel_loop3A_327, %parallel_loop3A_328] {strides = array<i32>} : memref<2x32x4x128xf32, #tpu.memory_space<vmem>>, vector<16xf32>,
        tpu.vector_store %arg7[%parallel_loop3A_325, %parallel_loop3A_326, %parallel_loop3A_327, %parallel_loop3A_328], %parallel_loop3A_322 {strides = array<i32>} : memref<2x32x4x128xf32, #tpu.memory_space<vmem>>, vector<16xf32>,
        %parallel_loop3A_330 = arith.mulf %parallel_loop3A_208, %parallel_loop3A_313 : vector<16xf32>
        %parallel_loop3A_331 = arith.constant 1 : i32
        %parallel_loop3A_332 = arith.constant 2 : i32
        %parallel_loop3A_333 = arith.index_cast %parallel_loop3A_331 : i32 to index
        %parallel_loop3A_334 = arith.index_cast %parallel_loop3A_183 : i32 to index
        %parallel_loop3A_335 = arith.index_cast %parallel_loop3A_332 : i32 to index
        %parallel_loop3A_336 = arith.index_cast %parallel_loop3A_187 : i32 to index
        %parallel_loop3A_337 = tpu.vector_load %arg7[%parallel_loop3A_333, %parallel_loop3A_334, %parallel_loop3A_335, %parallel_loop3A_336] {strides = array<i32>} : memref<2x32x4x128xf32, #tpu.memory_space<vmem>>, vector<16xf32>,
        tpu.vector_store %arg7[%parallel_loop3A_333, %parallel_loop3A_334, %parallel_loop3A_335, %parallel_loop3A_336], %parallel_loop3A_330 {strides = array<i32>} : memref<2x32x4x128xf32, #tpu.memory_space<vmem>>, vector<16xf32>,
        %parallel_loop3A_338 = arith.mulf %parallel_loop3A_215, %parallel_loop3A_313 : vector<16xf32>
        %parallel_loop3A_339 = arith.constant 1 : i32
        %parallel_loop3A_340 = arith.constant 3 : i32
        %parallel_loop3A_341 = arith.index_cast %parallel_loop3A_339 : i32 to index
        %parallel_loop3A_342 = arith.index_cast %parallel_loop3A_183 : i32 to index
        %parallel_loop3A_343 = arith.index_cast %parallel_loop3A_340 : i32 to index
        %parallel_loop3A_344 = arith.index_cast %parallel_loop3A_187 : i32 to index
        %parallel_loop3A_345 = tpu.vector_load %arg7[%parallel_loop3A_341, %parallel_loop3A_342, %parallel_loop3A_343, %parallel_loop3A_344] {strides = array<i32>} : memref<2x32x4x128xf32, #tpu.memory_space<vmem>>, vector<16xf32>,
        tpu.vector_store %arg7[%parallel_loop3A_341, %parallel_loop3A_342, %parallel_loop3A_343, %parallel_loop3A_344], %parallel_loop3A_338 {strides = array<i32>} : memref<2x32x4x128xf32, #tpu.memory_space<vmem>>, vector<16xf32>,
      } {sc.loop_unroll_factor = 2 : i64, sc.parallel_access}
      %mul3A_161 = arith.constant 32 : i32
      %mul3A_162 = arith.muli %add3A_125, %mul3A_161 : i32
      %add3A_163 = arith.addi %mul3A_2, %mul3A_162 : i32
      %dma_start3A_164 = arith.constant 1 : i32
      %dma_start3A_165 = arith.constant 0 : i32
      %dma_start3A_166 = arith.constant 0 : i32
      %dma_start3A_167 = arith.constant 0 : i32
      %dma_start3A_168 = tpu.memref_slice %arg7[%dma_start3A_164, %dma_start3A_165, %dma_start3A_166, %dma_start3A_167] : memref<2x32x4x128xf32, #tpu.memory_space<vmem>> -> memref<1x32x4x128xf32, #tpu.memory_space<vmem>>
      %dma_start3A_169 = tpu.memref_squeeze %dma_start3A_168 : memref<1x32x4x128xf32, #tpu.memory_space<vmem>> -> memref<32x4x128xf32, #tpu.memory_space<vmem>>
      %dma_start3A_170 = arith.constant 0 : i32
      %dma_start3A_171 = arith.constant 0 : i32
      %dma_start3A_172 = tpu.memref_slice %arg5[%add3A_163, %dma_start3A_170, %dma_start3A_171] : memref<65536x4x128xf32, #tpu.memory_space<hbm>> -> memref<32x4x128xf32, #tpu.memory_space<hbm>>
      %dma_start3A_173 = arith.constant 0 : i32
      %dma_start3A_174 = arith.constant 0 : i32
      %dma_start3A_175 = tpu.memref_slice %arg5[%add3A_163, %dma_start3A_173, %dma_start3A_174] : memref<65536x4x128xf32, #tpu.memory_space<hbm>> -> memref<32x4x128xf32, #tpu.memory_space<hbm>>
      %dma_start3A_176 = arith.constant 0 : i32
      %dma_start3A_177 = arith.constant 0 : i32
      %dma_start3A_178 = arith.constant 0 : i32
      %dma_start3A_179 = tpu.memref_slice %arg7[%dma_start3A_164, %dma_start3A_176, %dma_start3A_177, %dma_start3A_178] : memref<2x32x4x128xf32, #tpu.memory_space<vmem>> -> memref<1x32x4x128xf32, #tpu.memory_space<vmem>>
      %dma_start3A_180 = tpu.memref_squeeze %dma_start3A_179 : memref<1x32x4x128xf32, #tpu.memory_space<vmem>> -> memref<32x4x128xf32, #tpu.memory_space<vmem>>
      tpu.enqueue_dma source(%dma_start3A_180 : memref<32x4x128xf32, #tpu.memory_space<vmem>>) target(%dma_start3A_175 : memref<32x4x128xf32, #tpu.memory_space<hbm>>) target_semaphore(%arg13 : memref<!tpu.dma_semaphore, #tpu.memory_space<semaphore_mem>>)
    }
    %scan3A_31 = arith.constant 32 : i32
    %add3A_32 = arith.constant 1984 : i32
    %add3A_33 = arith.addi %mul3A_2, %add3A_32 : i32
    %dma_wait3A = arith.constant 0 : i32
    %dma_wait3A_34 = arith.constant 0 : i32
    %dma_wait3A_35 = arith.constant 0 : i32
    %dma_wait3A_36 = arith.constant 0 : i32
    %dma_wait3A_37 = tpu.memref_slice %arg7[%dma_wait3A, %dma_wait3A_34, %dma_wait3A_35, %dma_wait3A_36] : memref<2x32x4x128xf32, #tpu.memory_space<vmem>> -> memref<1x32x4x128xf32, #tpu.memory_space<vmem>>
    %dma_wait3A_38 = tpu.memref_squeeze %dma_wait3A_37 : memref<1x32x4x128xf32, #tpu.memory_space<vmem>> -> memref<32x4x128xf32, #tpu.memory_space<vmem>>
    %dma_wait3A_39 = arith.constant 0 : i32
    %dma_wait3A_40 = arith.constant 0 : i32
    %dma_wait3A_41 = tpu.memref_slice %arg5[%add3A_33, %dma_wait3A_39, %dma_wait3A_40] : memref<65536x4x128xf32, #tpu.memory_space<hbm>> -> memref<32x4x128xf32, #tpu.memory_space<hbm>>
    %dma_wait3A_42 = arith.constant 0 : i32
    %dma_wait3A_43 = arith.constant 0 : i32
    %dma_wait3A_44 = tpu.memref_slice %arg5[%add3A_33, %dma_wait3A_42, %dma_wait3A_43] : memref<65536x4x128xf32, #tpu.memory_space<hbm>> -> memref<32x4x128xf32, #tpu.memory_space<hbm>>
    %dma_wait3A_45 = arith.constant 0 : i32
    %dma_wait3A_46 = arith.constant 0 : i32
    %dma_wait3A_47 = arith.constant 0 : i32
    %dma_wait3A_48 = tpu.memref_slice %arg7[%dma_wait3A, %dma_wait3A_45, %dma_wait3A_46, %dma_wait3A_47] : memref<2x32x4x128xf32, #tpu.memory_space<vmem>> -> memref<1x32x4x128xf32, #tpu.memory_space<vmem>>
    %dma_wait3A_49 = tpu.memref_squeeze %dma_wait3A_48 : memref<1x32x4x128xf32, #tpu.memory_space<vmem>> -> memref<32x4x128xf32, #tpu.memory_space<vmem>>
    tpu.wait_dma2 semaphore(%arg12 : memref<!tpu.dma_semaphore, #tpu.memory_space<semaphore_mem>>) src(%dma_wait3A_49 : memref<32x4x128xf32, #tpu.memory_space<vmem>>) dst(%dma_wait3A_44 : memref<32x4x128xf32, #tpu.memory_space<hbm>>)
    %add3A_50 = arith.constant 2016 : i32
    %add3A_51 = arith.addi %mul3A_2, %add3A_50 : i32
    %dma_wait3A_52 = arith.constant 1 : i32
    %dma_wait3A_53 = arith.constant 0 : i32
    %dma_wait3A_54 = arith.constant 0 : i32
    %dma_wait3A_55 = arith.constant 0 : i32
    %dma_wait3A_56 = tpu.memref_slice %arg7[%dma_wait3A_52, %dma_wait3A_53, %dma_wait3A_54, %dma_wait3A_55] : memref<2x32x4x128xf32, #tpu.memory_space<vmem>> -> memref<1x32x4x128xf32, #tpu.memory_space<vmem>>
    %dma_wait3A_57 = tpu.memref_squeeze %dma_wait3A_56 : memref<1x32x4x128xf32, #tpu.memory_space<vmem>> -> memref<32x4x128xf32, #tpu.memory_space<vmem>>
    %dma_wait3A_58 = arith.constant 0 : i32
    %dma_wait3A_59 = arith.constant 0 : i32
    %dma_wait3A_60 = tpu.memref_slice %arg5[%add3A_51, %dma_wait3A_58, %dma_wait3A_59] : memref<65536x4x128xf32, #tpu.memory_space<hbm>> -> memref<32x4x128xf32, #tpu.memory_space<hbm>>
    %dma_wait3A_61 = arith.constant 0 : i32
    %dma_wait3A_62 = arith.constant 0 : i32
    %dma_wait3A_63 = tpu.memref_slice %arg5[%add3A_51, %dma_wait3A_61, %dma_wait3A_62] : memref<65536x4x128xf32, #tpu.memory_space<hbm>> -> memref<32x4x128xf32, #tpu.memory_space<hbm>>
    %dma_wait3A_64 = arith.constant 0 : i32
    %dma_wait3A_65 = arith.constant 0 : i32
    %dma_wait3A_66 = arith.constant 0 : i32
    %dma_wait3A_67 = tpu.memref_slice %arg7[%dma_wait3A_52, %dma_wait3A_64, %dma_wait3A_65, %dma_wait3A_66] : memref<2x32x4x128xf32, #tpu.memory_space<vmem>> -> memref<1x32x4x128xf32, #tpu.memory_space<vmem>>
    %dma_wait3A_68 = tpu.memref_squeeze %dma_wait3A_67 : memref<1x32x4x128xf32, #tpu.memory_space<vmem>> -> memref<32x4x128xf32, #tpu.memory_space<vmem>>
    tpu.wait_dma2 semaphore(%arg13 : memref<!tpu.dma_semaphore, #tpu.memory_space<semaphore_mem>>) src(%dma_wait3A_68 : memref<32x4x128xf32, #tpu.memory_space<vmem>>) dst(%dma_wait3A_63 : memref<32x4x128xf32, #tpu.memory_space<hbm>>)
    return
  }
}

</mosaic_0001>

<sc_bundles>
// kernel: _run_sc.3.cloned.1.call-start
scs
__scs_entry_jumppad:
0x0: {  	(pc) =	sbr.rel $0x88, $3  }
0x1: {  	(tag) =	ssettag $0x0;
	lr =	simm.s32 $0x1  }
0x2: {  	[smem:$0x3F9E] =	sst lr;
	_ =	strace $0xD0000000  }
0x3: {  	_ = 	snop  }
0x4: {  	_ = 	snop  }
0x5: {  	_ = 	snop  }
0x6: {  	_ = 	snop  }
0x7: {  	_ = 	snop  }
__scs_overlays_trampoline_lowered:
0x8: {  	[smem:$0x3FAD] =	sst s0  }
0x9: {  	[smem:$0x3FAE] =	sst s1  }
0xa: {  	[smem:$0x3FAF] =	sst s2  }
0xb: {  	[smem:$0x3FB0] =	sst s3  }
0xc: {  	[smem:$0x3FB1] =	sst s4  }
0xd: {  	[smem:$0x3FB2] =	sst s5  }
0xe: {  	[smem:$0x3FB3] =	sst s6  }
0xf: {  	[smem:$0x3FB4] =	sst s7  }
0x10: {  	[smem:$0x3FB5] =	sst s8  }
0x11: {  	[smem:$0x3FB6] =	sst s9;
	s0 =	simm.s32 @!p0 $0x0  }
0x12: {  	s1 =	sld [smem:$0x3F9C];
	s0 =	simm.s32 @p0 $0x1  }
0x13: {  	[smem:$0x3FB7] =	sst s0;
	s0 =	simm.s32 @!p1 $0x0  }
0x14: {  	s2 =	sld [smem:$0x3F9B];
	s0 =	simm.s32 @p1 $0x1  }
0x15: {  	[smem:$0x3FB8] =	sst s0;
	s0 =	simm.s32 @!p2 $0x0  }
0x16: {  	s3 =	sld [smem:$0x3FDB];
	s0 =	simm.s32 @p2 $0x1  }
0x17: {  	s4 =	simm.s32 $0x1BF5;
	[smem:$0x3FBA] =	sst s0  }
0x18: {  	s0 =	sld [smem:$0x3F9D];
	_ =	swait.ge [sflag:s4], $0x0  }
0x19: {  	s7 =	sld [smem:$0x3F9E]  }
0x1a: {  	s8 =	sadd.s32 $0xFFFFE003, lr  }
0x1b: {  	s9 =	sadd.s32 $0xFFFFFEF7, lr;
	s5 =	simm.s32 $0xFFFFFFFF;
	p2 =	slt.u32 s8, $0xFFFFF086  }
0x1c: {  	p1 =	slt.u32 s9, $0xF7A;
	s5 =	simm.s32 @!p2 $0x0  }
0x1d: {  	s5 =	simm.s32 @p1 $0x1;
	p0 =	seq.s32 s7, s2  }
0x1e: {  	s7 =	smul.u32 @!p0 $0xF7A, s2;
	p2 =	seq.s32 @!p0 s5, $0x0  }
0x1f: {  	s9 =	smul.u32 $0xF7A, s1;
	s8 =	simm.s32 @!p0 $0x1BF5;
	p2 =	por !p2, p0  }
0x20: {  	[sflag:s8] =	ssyncset.s32 @!p0 $0xFFFFF086;
	s6 =	sadd.s32 @!p0 s3, s7;
	s7 =	simm.s32 @!p0 $0x108  }
0x21: {  	s3 =	sadd.s32 s3, s9;
	s6 =	sadd.s32 @!p0 $0x88, s6;
	s7 =	simm.s32 @p2 $0x1082  }
0x22: {  	[simem:s7], [sflag:s8] =	dma.local @!p0 [hbm:s6], $0xF7A  }
0x23: {  	s9 =	sor.u32 $0xD0000000, s2;
	s6 =	simm.s32 $0x108;
	_ =	swait.ge @!p0 [sflag:s8], $0x0  }
0x24: {  	s3 =	sadd.s32 $0x88, s3;
	s6 =	simm.s32 @!p1 $0x1082;
	[sflag:s4] =	ssyncset.s32 $0xFFFFF086  }
0x25: {  	[simem:s6], [sflag:s4] =	dma.local [hbm:s3], $0xF7A  }
0x26: {  	[smem:$0x3F9E] =	sst s1;
	(tag) =	ssettag s2;
	_ =	strace s9  }
0x27: {  	s1 =	sld [smem:$0x3FAE]  }
0x28: {  	s2 =	sld [smem:$0x3FAF]  }
0x29: {  	s4 =	sld [smem:$0x3FB1]  }
0x2a: {  	p0 =	seq.s32 s5, $0x0;
	s5 =	sld [smem:$0x3FB2]  }
0x2b: {  	s6 =	sld [smem:$0x3FB3]  }
0x2c: {  	s7 =	sld [smem:$0x3FB4]  }
0x2d: {  	s3 =	simm.s32 $0x108;
	s8 =	sld [smem:$0x3FB5]  }
0x2e: {  	s3 =	simm.s32 @!p0 $0x1082;
	s9 =	sld [smem:$0x3FB6]  }
0x2f: {  	lr =	sadd.s32 s0, s3;
	s0 =	sld [smem:$0x3FAD]  }
0x30: {  	s3 =	sld [smem:$0x3FB0]  }
0x31: {  	[smem:$0x3FB9] =	sst s10  }
0x32: {  	s10 =	sld [smem:$0x3FB7];
	_ =	sdelay $0x3  }
0x33: {  	p0 =	seq.s32 s10, $0x1;
	s10 =	sld [smem:$0x3FB9];
	_ =	sdelay $0x3  }
0x34: {  	[smem:$0x3FB9] =	sst s10  }
0x35: {  	s10 =	sld [smem:$0x3FB8];
	_ =	sdelay $0x3  }
0x36: {  	p1 =	seq.s32 s10, $0x1;
	s10 =	sld [smem:$0x3FB9];
	_ =	sdelay $0x3  }
0x37: {  	[smem:$0x3FB9] =	sst s10  }
0x38: {  	s10 =	sld [smem:$0x3FBA]  }
0x39: {  	_ = 	snop;
	(pc) =	sbr.ind lr, $3  }
0x3a: {  	_ = 	snop  }
0x3b: {  	_ = 	snop  }
0x3c: {  	p2 =	seq.s32 s10, $0x1;
	s10 =	sld [smem:$0x3FB9]  }
0x3d: {  	_ =	shalt  }
0x3e: {  	_ =	shalt  }
0x3f: {  	_ =	shalt  }
0x40: {  	_ =	shalt  }
0x41: {  	_ =	shalt  }
0x42: {  	_ =	shalt  }
0x43: {  	_ =	shalt  }
0x44: {  	_ =	shalt  }
0x45: {  	_ =	shalt  }
0x46: {  	_ =	shalt  }
0x47: {  	_ =	shalt  }
0x48: {  	_ =	shalt  }
0x49: {  	_ =	shalt  }
0x4a: {  	_ =	shalt  }
0x4b: {  	_ =	shalt  }
0x4c: {  	_ =	shalt  }
0x4d: {  	_ =	shalt  }
0x4e: {  	_ =	shalt  }
0x4f: {  	_ =	shalt  }
0x50: {  	_ =	shalt  }
0x51: {  	_ =	shalt  }
0x52: {  	_ =	shalt  }
0x53: {  	_ =	shalt  }
0x54: {  	_ =	shalt  }
0x55: {  	_ =	shalt  }
0x56: {  	_ =	shalt  }
0x57: {  	_ =	shalt  }
0x58: {  	_ =	shalt  }
0x59: {  	_ =	shalt  }
0x5a: {  	_ =	shalt  }
0x5b: {  	_ =	shalt  }
0x5c: {  	_ =	shalt  }
0x5d: {  	_ =	shalt  }
0x5e: {  	_ =	shalt  }
0x5f: {  	_ =	shalt  }
0x60: {  	_ =	shalt  }
0x61: {  	_ =	shalt  }
0x62: {  	_ =	shalt  }
0x63: {  	_ =	shalt  }
0x64: {  	_ =	shalt  }
0x65: {  	_ =	shalt  }
0x66: {  	_ =	shalt  }
0x67: {  	_ =	shalt  }
0x68: {  	_ =	shalt  }
0x69: {  	_ =	shalt  }
0x6a: {  	_ =	shalt  }
0x6b: {  	_ =	shalt  }
0x6c: {  	_ =	shalt  }
0x6d: {  	_ =	shalt  }
0x6e: {  	_ =	shalt  }
0x6f: {  	_ =	shalt  }
0x70: {  	_ =	shalt  }
0x71: {  	_ =	shalt  }
0x72: {  	_ =	shalt  }
0x73: {  	_ =	shalt  }
0x74: {  	_ =	shalt  }
0x75: {  	_ =	shalt  }
0x76: {  	_ =	shalt  }
0x77: {  	_ =	shalt  }
0x78: {  	_ =	shalt  }
0x79: {  	_ =	shalt  }
0x7a: {  	_ =	shalt  }
0x7b: {  	_ =	shalt  }
0x7c: {  	_ =	shalt  }
0x7d: {  	_ =	shalt  }
0x7e: {  	_ =	shalt  }
0x7f: {  	_ =	shalt  }
0x80: {  	_ =	shalt  }
0x81: {  	_ =	shalt  }
0x82: {  	_ =	shalt  }
0x83: {  	_ =	shalt  }
0x84: {  	_ =	shalt  }
0x85: {  	_ =	shalt  }
0x86: {  	_ =	shalt  }
0x87: {  	_ =	shalt  }
.Lfunc_end0:
.L_simem_size_0:
called_computation_lowered:
.L_overlay_start_0:
0x88: {  	s2 =	sld [smem:$0x3FD9]  }
0x89: {  	s3 =	sld [smem:$0x3FFE];
	_ =	sdelay $0x1  }
0x8a: {  	s1 =	srdreg.scid  }
0x8b: {  	s0 =	sand.u32 $0x1, s1  }
0x8c: {  	s18 =	sshll.u32 s0, $0xA;
	s2 =	sadd.s32 s3, s2  }
0x8d: {  	s2 =	sadd.s32 s2, s18  }
0x8e: {  	[smem:$0x3FC5] =	sst s2  }
0x8f: {  	_ = 	snop  }
0x90: {  	s2 =	sld [smem:$0x3FC9]  }
0x91: {  	s19 =	sld [smem:$0x3FC8]  }
0x92: {  	s4 =	sld [smem:$0x3FC7]  }
0x93: {  	s5 =	sld [smem:$0x3FD0];
	(tm) =	ssettm $0x1  }
0x94: {  	s6 =	sld [smem:$0x3FFB];
	_ =	sdelay $0x3  }
0x95: {  	_ =	strace s6  }
0x96: {  	s6 =	sld [smem:$0x3FFC];
	_ =	sdelay $0x3  }
0x97: {  	_ =	strace s6  }
0x98: {  	s6 =	sld [smem:$0x3FFD];
	_ =	sdelay $0x3  }
0x99: {  	_ =	strace s6  }
0x9a: {  	_ =	strace $0x8FFFFFFF  }
0x9b: {  	s20 =	sld [smem:$0x3FDB];
	_ =	sdelay $0x1  }
0x9c: {  	s7 =	simm.s32 $_scs_section_size  }
0x9d: {  	s8 =	simm.s32 $_size__tile_overlayer_lowered;
	s9 =	simm.s32 $_tile_overlayer_lowered  }
0x9e: {  	s23 =	simm.s32 $0x1BFF;
	s22 =	sshll.u32 s9, $0x1;
	s6 =	sadd.s32 s7, s20  }
0x9f: {  	s10 =	simm.s32 $0x0;
	s21 =	sshll.u32 s8, $0x1;
	s8 =	sadd.s32 s22, s6  }
0xa0: {  	[timem:s10], [sflag:s23] =	dma.local [hbm:s8], s21  }
0xa1: {  	_ =	swait.ge [sflag:s23], s21  }
0xa2: {  	s7 =	ssub.s32 $0x0, s21;
	[sflag:s23] =	ssyncset.done $0x0  }
0xa3: {  	[sflag:s23] =	ssyncadd.s32 s7;
	_ =	sdelay $0x1  }
0xa4: {  	s24 =	simm.s32 $0x1B8B  }
0xa5: {  	_ =	swait.ge [sflag:s24], $0x1  }
0xa6: {  	[sflag:s24] =	ssyncset.done $0x0  }
0xa7: {  	s25 =	simm.s32 $0x1B8E;
	[sflag:s24] =	ssyncadd.s32 $0xFFFFFFFF  }
0xa8: {  	s26 =	simm.s32 $execute0_lowered;
	[smem:$0x3FD2] =	sst s25  }
0xa9: {  	s7 =	sshll.u32 s26, $0x1;
	_ =	strace $0x80000046;
	[dreg:$0x1] =	wrdreg $0xFFFFFFFF  }
0xaa: {  	s28 =	simm.s32 $_size_execute0_lowered;
	s6 =	sadd.s32 s6, s7;
	[dreg:$0x0] =	wrdreg $0x0  }
0xab: {  	s7 =	sshll.u32 s28, $0x1;
	[dreg:$0x2] =	wrdreg s6  }
0xac: {  	[dreg:$0x3] =	wrdreg s7  }
0xad: {  	[dreg:$0x4] =	wrdreg $0xC0  }
0xae: {  	_ =	task [dreg:s10], $0x5FFFF  }
0xaf: {  	[dreg:$0x1] =	wrdreg $0xFFFFFFFF  }
0xb0: {  	[dreg:$0x0] =	wrdreg $0x60  }
0xb1: {  	[dreg:$0x2] =	wrdreg s2  }
0xb2: {  	[dreg:$0x3] =	wrdreg s19  }
0xb3: {  	[dreg:$0x4] =	wrdreg s4  }
0xb4: {  	[dreg:$0x5] =	wrdreg s5  }
0xb5: {  	[dreg:$0x6] =	wrdreg $0x9  }
0xb6: {  	_ =	task.clear_ibuf [dreg:s10], $0x7FFFF;
	_ =	strace $0x90000046  }
0xb7: {  	s29 =	simm.s32 $0x9;
	_ =	strace $0x80000048  }
0xb8: {  	_ =	swait.ge [sflag:s29], $0x1  }
0xb9: {  	[sflag:s29] =	ssyncadd.s32 $0xFFFFFFFF  }
0xba: {  	_ =	strace $0x90000048  }
0xbb: {  	_ =	sfence  }
0xbc: {  	s30 =	sld [smem:$0x0];
	_ =	sdelay $0x2  }
0xbd: {  	s31 =	sshll.u32 s1, $0xD;
	s1 =	sshrl.u32 s1, $0x2  }
0xbe: {  	s3 =	sand.u32 $0x4000, s31;
	s1 =	sadd.s32 s1, s30  }
0xbf: {  	s0 =	sor.u32 s3, s0;
	s1 =	sshll.u32 s1, $0x11  }
0xc0: {  	s0 =	sor.u32 s1, s0  }
0xc1: {  	s0 =	sadd.s32 $0x8F2B, s0  }
0xc2: {  	[sflag:s0] =	ssyncadd.remote.s32 $0x1  }
0xc3: {  	_ =	sfence.sel $0xFFFF  }
0xc4: {  	[dreg:$0x0] =	wrdreg $0xFFFFFFFF;
	(pc) =	sbr.abs _section_cstart, $3  }
0xc5: {  	[dreg:$0x1] =	wrdreg $0xFFFFFFFF  }
0xc6: {  	_ =	task.clear_ibuf [dreg:s10], $0x2FFFF;
	_ =	strace $0x9FFFFFFF  }
0xc7: {  	(tm) =	ssettm $0x7FFFFFFF  }
tec
execute0_lowered:
.L_overlay_start_1:
0x0: {  	(tag) =	ssettag $0x1  }
0x1: {  	s4 =	rddreg [dreg:$0x0]  }
0x2: {  	s5 =	rddreg [dreg:$0x3]  }
0x3: {  	s0 =	srdreg.scid;
	s6 =	simm.s32 $0x0;
	s2 =	stileid.u32  }
0x4: {  	s12 =	simm.s32 $0x10000;
	s14 =	simm.s32 $0x10010;
	s16 =	simm.s32 $0x1  }
0x5: {  	s17 =	simm.s32 $0x8000;
	s18 =	simm.s32 $0x2;
	s19 =	simm.s32 $0x4  }
0x6: {  	s20 =	simm.s32 $0xC000;
	s0 =	sand.u32 $0x1, s0;
	s2 =	sshll.u32 s2, $0x11  }
0x7: {  	[smem:$0x7FF] =	sst s6;
	s1 =	ssub.s32 $0x2, s0;
	s0 =	sshll.u32 s0, $0x15  }
0x8: {  	s10 =	smov.u32 s4;
	s15 =	smov.u32 s5;
	s0 =	sor.u32 s2, s0  }
0x9: {  	_ =	strace $0x80000047;
	s3 =	sshrl.u32 s1, $0x1;
	s2 =	sadd.s32 s4, s0  }
0xa: {  	s1 =	ssub.s32 s1, s3;
	[dreg:$0x5] =	wrdreg s2;
	s30 =	sadd.s32 $0x1000, s2  }
0xb: {  	s8 =	sor.u32 $0x800, s0;
	s31 =	smax.u32 s1, $0x1;
	[dreg:$0x6] =	wrdreg s30  }
0xc: {  	v0 =	vimm.s32 $0x8;
	v1 =	vimm.s32 $0x0;
	s9 =	sadd.s32 s5, s0;
	s1 =	simm.s32 $0x0;
	[dreg:$0x7] =	wrdreg s31  }
.LBB2_1:
0xd: {  	[dreg:$0x8] =	wrdreg s1  }
0xe: {  	s0 =	rddreg [dreg:$0x1];
	s29 =	simm.s32 $0x5  }
0xf: {  	[tilespmem:s12], [sflag:$0x5] =	stream.linear.gather [hbm4b:s0+s6], $0x10, $0x38;
	[tilespmem:$0x10020] =	vst v63  }
0x10: {  	_ =	swait.ge [sflag:s29], $0x10  }
0x11: {  	[sflag:s29] =	ssyncset.done $0x0  }
0x12: {  	[sflag:s29] =	ssyncadd.s32 $0xFFFFFFF0  }
0x13: {  	s30 =	rddreg [dreg:$0x2]  }
0x14: {  	[tilespmem:s14], [sflag:$0x5] =	stream.linear.gather [hbm4b:s30+s6], $0x10, $0x38;
	[tilespmem:$0x10020] =	vst v63  }
0x15: {  	_ =	swait.ge [sflag:s29], $0x10  }
0x16: {  	[sflag:s29] =	ssyncset.done $0x0  }
0x17: {  	[sflag:s29] =	ssyncadd.s32 $0xFFFFFFF0  }
0x18: {  	v2 =	vld [tilespmem:$0x10000];
	_ =	sdelay $0x3  }
0x19: {  	s23 =	simm.s32 $0x0;
	s31 =	rddreg [dreg:$0x5]  }
0x1a: {  	[tilespmem:s6], [sflag:$0x1] =	stream.linear.gather [hbm4b:s31+s6], $0x4000, $0x38;
	v3 =	vperm.xlane v2, v0;
	[tilespmem:$0x10020] =	vst v63  }
.LBB2_2:
0x1b: {  	s25 =	sshll.u32 s23, $0xC  }
0x1c: {  	s24 =	sadd.s32 s8, s25  }
0x1d: {  	s1 =	simm.s32 $0x4000;
	s0 =	sadd.s32 s10, s24  }
0x1e: {  	[tilespmem:s1], [sflag:$0x2] =	stream.linear.gather [hbm4b:s0+s6], $0x4000, $0x38;
	[tilespmem:$0x10020] =	vst v63  }
0x1f: {  	_ =	swait.ge [sflag:s16], $0x4000  }
0x20: {  	p0 =	seq.s32 s23, $0x0;
	[sflag:s16] =	ssyncset.done $0x0  }
0x21: {  	s21 =	simm.s32 $0x0;
	s0 =	simm.s32 @!p0 $0x3;
	[sflag:s16] =	ssyncadd.s32 $0xFFFFC000  }
0x22: {  	s2 =	sand.u32 $0x3, s21;
	_ =	swait.ge @!p0 [sflag:s0], $0x4000  }
0x23: {  	s3 =	sand.u32 $0x60, s21;
	s1 =	sand.u32 $0x3E00, s21;
	[sflag:s0] =	ssyncset.done @!p0 $0x0  }
0x24: {  	s22 =	sshll.u32 s2, $0x5;
	s26 =	sor.u32 s3, s1;
	[sflag:s0] =	ssyncadd.s32 @!p0 $0xFFFFC000  }
0x25: {  	s0 =	sadd.s32 $0x0, s22;
	v5 =	vld [tilespmem:s26+$0x110]  }
0x26: {  	s2 =	sadd.s32 $0x10, s0;
	v6 =	vld [tilespmem:s26+$0x90]  }
0x27: {  	s28 =	sor.u32 $0x180, s2  }
0x28: {  	v15 =	vld [tilespmem:s28+$0x0];
	_ =	sdelay $0x1  }
0x29: {  	v10 =	vld [tilespmem:s26+$0x10]  }
0x2a: {  	v4 =	vmul.f32 v5, v5;
	v8 =	vmul.f32 v6, v6  }
0x2b: {  	v7 =	vld [tilespmem:s26+$0x100]  }
0x2c: {  	v13 =	vld [tilespmem:s26+$0x80];
	v8 =	vadd.f32 v4, v8;
	v9 =	vmul.f32 v15, v15  }
0x2d: {  	s29 =	sor.u32 $0x180, s0  }
0x2e: {  	v11 =	vmul.f32 v10, v10;
	v4 =	vld [tilespmem:s29+$0x0];
	v8 =	vadd.f32 v9, v8;
	_ =	sdelay $0x1  }
0x2f: {  	v16 =	vld [tilespmem:s26+$0x0];
	v17 =	vadd.f32 v8, v11  }
0x30: {  	v9 =	vmul.f32 v7, v7;
	v11 =	vmul.f32 v13, v13  }
0x31: {  	v12 =	vshra.s32 v17, $0x1;
	v14 =	vmul.f32 $5.000000000e-01, v17  }
0x32: {  	v18 =	vmul.f32 v4, v4;
	v9 =	vadd.f32 v9, v11;
	v11 =	vsub.s32 $0x5F3759DF, v12  }
0x33: {  	v12 =	vmul.f32 v11, v14  }
0x34: {  	v19 =	vmul.f32 v16, v16;
	v9 =	vadd.f32 v18, v9  }
0x35: {  	s5 =	simm.s32 $0x20;
	s3 =	simm.s32 $0x80;
	v12 =	vmul.f32 v11, v12  }
0x36: {  	s0 =	sand.u32 $0x3E00, s3;
	s2 =	sand.u32 $0x60, s5;
	v18 =	vadd.f32 v9, v19  }
0x37: {  	s30 =	sor.u32 s2, s0;
	v12 =	vsub.f32 $1.500000000e+00, v12  }
0x38: {  	v25 =	vld [tilespmem:s30+$0x10];
	v19 =	vshra.s32 v18, $0x1;
	v20 =	vmul.f32 $5.000000000e-01, v18  }
0x39: {  	v19 =	vsub.s32 $0x5F3759DF, v19;
	v11 =	vmul.f32 v11, v12  }
0x3a: {  	v12 =	vmul.f32 v19, v20  }
0x3b: {  	v14 =	vmul.f32 v11, v14  }
0x3c: {  	s4 =	simm.s32 $0x1;
	v12 =	vmul.f32 v19, v12  }
0x3d: {  	s1 =	sand.u32 $0x3, s4;
	v32 =	vmul.f32 v25, v25;
	v21 =	vshra.s32 v8, $0x1;
	v14 =	vmul.f32 v14, v11  }
0x3e: {  	s1 =	sshll.u32 s1, $0x5;
	v30 =	vld [tilespmem:s30+$0x0];
	v22 =	vmul.f32 $5.000000000e-01, v9;
	v23 =	vshra.s32 v9, $0x1;
	v12 =	vsub.f32 $1.500000000e+00, v12  }
0x3f: {  	s7 =	sadd.s32 $0x80, s1;
	v8 =	vmul.f32 $5.000000000e-01, v8;
	v9 =	vld [tilespmem:s30+$0x110];
	v23 =	vsub.s32 $0x5F3759DF, v23;
	v14 =	vsub.f32 $1.500000000e+00, v14  }
0x40: {  	s1 =	sadd.s32 $0x10, s7;
	v21 =	vsub.s32 $0x5F3759DF, v21;
	v22 =	vmul.f32 v23, v22;
	v19 =	vmul.f32 v19, v12;
	v12 =	vld [tilespmem:s30+$0x90]  }
0x41: {  	s31 =	sor.u32 $0x180, s1;
	v8 =	vmul.f32 v21, v8;
	v24 =	vmul.f32 v14, v11  }
0x42: {  	v22 =	vmul.f32 v23, v22;
	v14 =	vmul.f32 v19, v20;
	v11 =	vld [tilespmem:s31+$0x0]  }
0x43: {  	v62 =	vmul.f32 v30, v30;
	v20 =	vmul.f32 v21, v8;
	v8 =	vld [tilespmem:s30+$0x100];
	v26 =	vmin.f32 v24, $1.000000000e+06  }
0x44: {  	v22 =	vsub.f32 $1.500000000e+00, v22;
	v14 =	vmul.f32 v14, v19;
	v26 =	vmul.f32 v26, v10;
	v10 =	vld [tilespmem:s30+$0x80]  }
0x45: {  	s0 =	sor.u32 $0x180, s7;
	v27 =	vmul.f32 v9, v9;
	v28 =	vmul.f32 v12, v12  }
0x46: {  	v35 =	vmul.f32 v23, v22;
	v20 =	vsub.f32 $1.500000000e+00, v20;
	v29 =	vsub.f32 $1.500000000e+00, v14;
	v14 =	vld [tilespmem:s0+$0x0]  }
0x47: {  	vm0 =	vlt.f32 v26, v3;
	v27 =	vadd.f32 v27, v28;
	v28 =	vmul.f32 v11, v11  }
0x48: {  	v31 =	vmul.f32 v8, v8;
	v19 =	vmul.f32 v29, v19;
	v29 =	vsel vm0, $0x8, v1  }
0x49: {  	v27 =	vadd.f32 v28, v27;
	v28 =	vmul.f32 v21, v20;
	v34 =	vmul.f32 v10, v10  }
0x4a: {  	v33 =	vmul.f32 v19, v18;
	v18 =	vor.u32 $0x4, v29;
	v19 =	vmin.f32 v19, $1.000000000e+06  }
0x4b: {  	v20 =	vmul.f32 v14, v14;
	v21 =	vadd.f32 v31, v34;
	v31 =	vadd.f32 v27, v32  }
0x4c: {  	v61 =	vperm.xlane v2, v18;
	v63 =	vmul.f32 v19, v16  }
0x4d: {  	v20 =	vadd.f32 v20, v21;
	v21 =	vshra.s32 v31, $0x1;
	v36 =	vmul.f32 $5.000000000e-01, v31  }
0x4e: {  	v17 =	vmul.f32 v24, v17;
	vm5 =	vlt.f32 v26, v61;
	v16 =	vsub.s32 $0x5F3759DF, v21  }
0x4f: {  	vm6 =	vlt.f32 v63, v3;
	v19 =	vadd.f32 v20, v62;
	v21 =	vmul.f32 v16, v36  }
0x50: {  	v23 =	vshra.s32 v27, $0x1;
	v18 =	vsel vm5, v18, v29;
	v37 =	vsel vm6, $0x8, v1  }
0x51: {  	v29 =	vshra.s32 v19, $0x1;
	v34 =	vmul.f32 $5.000000000e-01, v19;
	v21 =	vmul.f32 v16, v21  }
0x52: {  	v24 =	vor.u32 $0x2, v18;
	v39 =	vor.u32 $0x4, v37;
	v29 =	vsub.s32 $0x5F3759DF, v29  }
0x53: {  	v38 =	vperm.xlane v2, v24;
	v40 =	vmul.f32 v29, v34;
	v21 =	vsub.f32 $1.500000000e+00, v21  }
0x54: {  	v23 =	vsub.s32 $0x5F3759DF, v23;
	v22 =	vperm.xlane v2, v39;
	v47 =	vmul.f32 $5.000000000e-01, v20  }
0x55: {  	vm7 =	vlt.f32 v26, v38;
	v16 =	vmul.f32 v16, v21;
	v21 =	vmul.f32 v29, v40  }
0x56: {  	v20 =	vshra.s32 v20, $0x1;
	v18 =	vsel vm7, v24, v18;
	v24 =	vmul.f32 $5.000000000e-01, v27  }
0x57: {  	v46 =	vor.u32 $0x1, v18;
	v27 =	vmul.f32 v16, v36;
	v21 =	vsub.f32 $1.500000000e+00, v21  }
0x58: {  	v48 =	vsub.s32 $0x5F3759DF, v20;
	v24 =	vmul.f32 v23, v24;
	v49 =	vperm.xlane v2, v46  }
0x59: {  	s11 =	simm.s32 $0x100;
	s21 =	simm.s32 $0x40;
	vm8 =	vlt.f32 v63, v22;
	v20 =	vmul.f32 v27, v16;
	v29 =	vmul.f32 v29, v21  }
0x5a: {  	s1 =	sand.u32 $0x3E00, s11;
	s3 =	sand.u32 $0x60, s21;
	v22 =	vmul.f32 v23, v24;
	v24 =	vsel vm8, v39, v37;
	v21 =	vmul.f32 v48, v47  }
0x5b: {  	s13 =	simm.s32 $0x2;
	s4 =	sor.u32 s3, s1;
	vm9 =	vlt.f32 v26, v49;
	v20 =	vsub.f32 $1.500000000e+00, v20;
	v27 =	vmul.f32 v29, v34  }
0x5c: {  	s2 =	sand.u32 $0x3, s13;
	v32 =	vld [tilespmem:s4+$0x0];
	v50 =	vor.u32 $0x2, v24;
	v22 =	vsub.f32 $1.500000000e+00, v22;
	v21 =	vmul.f32 v48, v21  }
0x5d: {  	s2 =	sshll.u32 s2, $0x5;
	v54 =	vsel vm9, v46, v18;
	v18 =	vld [tilespmem:s4+$0x100];
	v51 =	vmul.f32 v20, v16;
	v20 =	vmul.f32 v27, v29  }
0x5e: {  	s22 =	sadd.s32 $0x100, s2;
	v52 =	vsub.f32 $1.500000000e+00, v21;
	v21 =	vmul.f32 v23, v22;
	v22 =	vperm.xlane v2, v50;
	v16 =	vld [tilespmem:s4+$0x110]  }
0x5f: {  	s2 =	sadd.s32 $0x10, s22;
	v41 =	vmax.f32 v17, $9.999999970e-07;
	v23 =	vsub.f32 $1.500000000e+00, v20;
	v20 =	vld [tilespmem:s4+$0x90]  }
0x60: {  	s2 =	sor.u32 $0x180, s2;
	v53 =	vmul.f32 v41, v28;
	v27 =	vld [tilespmem:s4+$0x10];
	v17 =	vmin.f32 v51, $1.000000000e+06;
	vm1 =	vlt.f32 v63, v22  }
0x61: {  	v25 =	vmul.f32 v17, v25;
	v24 =	vsel vm1, v50, v24;
	v17 =	vld [tilespmem:s2+$0x0];
	v26 =	vmul.f32 v23, v29  }
0x62: {  	v60 =	vmul.f32 v32, v32;
	v58 =	vmul.f32 v18, v18;
	v28 =	vor.u32 $0x1, v24  }
0x63: {  	s3 =	sor.u32 $0x180, s22;
	vm10 =	vlt.f32 v25, v3;
	v29 =	vperm.xlane v2, v28;
	v22 =	vmul.f32 v26, v19;
	v19 =	vld [tilespmem:s4+$0x80]  }
0x64: {  	v23 =	vld [tilespmem:s3+$0x0];
	v42 =	vmul.f32 v16, v16;
	v55 =	vsel vm10, $0x8, v1;
	v43 =	vmul.f32 v20, v20  }
0x65: {  	v59 =	vmul.f32 v27, v27;
	v26 =	vmin.f32 v26, $1.000000000e+06;
	v44 =	vor.u32 $0x4, v55  }
0x66: {  	v36 =	vld.idx.msk [tilespmem:v54+s12+$0x0], $0xffff;
	vm11 =	vlt.f32 v63, v29;
	v57 =	vmul.f32 v17, v17;
	v56 =	vadd.f32 v42, v43  }
0x67: {  	v29 =	vmul.f32 v51, v31;
	v31 =	vperm.xlane v2, v44;
	v43 =	vsel vm11, v28, v24  }
0x68: {  	v24 =	vmul.f32 v48, v52;
	v45 =	vmul.f32 v19, v19;
	v37 =	vadd.f32 v57, v56  }
0x69: {  	v28 =	vmul.f32 v26, v30;
	v30 =	vmul.f32 v23, v23;
	vm12 =	vlt.f32 v25, v31  }
0x6a: {  	v38 =	vsel vm12, v44, v55;
	v39 =	vadd.f32 v58, v45;
	v26 =	vadd.f32 v37, v59  }
0x6b: {  	v48 =	vmul.f32 v41, v36;
	vm13 =	vlt.f32 v28, v3;
	v61 =	vor.u32 $0x2, v38  }
0x6c: {  	v39 =	vadd.f32 v30, v39;
	v30 =	vshra.s32 v26, $0x1;
	v62 =	vmul.f32 $5.000000000e-01, v26  }
0x6d: {  	v46 =	vsel vm13, $0x8, v1;
	v47 =	vperm.xlane v2, v61;
	v63 =	vsub.s32 $0x5F3759DF, v30  }
0x6e: {  	v31 =	vld.idx.msk [tilespmem:v54+s14+$0x0], $0xffff;
	v34 =	vor.u32 $0x4, v46;
	v58 =	vshra.s32 v37, $0x1;
	v54 =	vmul.f32 v63, v62  }
0x6f: {  	v51 =	vmul.f32 $5.000000000e-01, v37;
	v56 =	vperm.xlane v2, v34;
	v30 =	vadd.f32 v39, v60  }
0x70: {  	v50 =	vsub.s32 $0x5F3759DF, v58;
	vm14 =	vlt.f32 v25, v47;
	v40 =	vmul.f32 v63, v54  }
0x71: {  	v60 =	vmul.f32 v50, v51;
	v55 =	vshra.s32 v30, $0x1;
	v49 =	vmul.f32 $5.000000000e-01, v30  }
0x72: {  	v52 =	vmul.f32 $5.000000000e-01, v39;
	v41 =	vsub.s32 $0x5F3759DF, v55;
	v40 =	vsub.f32 $1.500000000e+00, v40  }
0x73: {  	v59 =	vshra.s32 v39, $0x1;
	v39 =	vmul.f32 v50, v60;
	v57 =	vmul.f32 v41, v49  }
0x74: {  	v31 =	vmul.f32 v53, v31;
	v36 =	vsel vm14, v61, v38;
	v37 =	vmul.f32 v63, v40  }
0x75: {  	vm15 =	vlt.f32 v28, v56;
	v39 =	vsub.f32 $1.500000000e+00, v39;
	v42 =	vmul.f32 v41, v57  }
0x76: {  	v40 =	vmax.f32 v33, $9.999999970e-07;
	v33 =	vsub.s32 $0x5F3759DF, v59;
	v44 =	vmul.f32 v37, v62  }
0x77: {  	v61 =	vsub.f32 $1.500000000e+00, v42;
	v62 =	vmul.f32 v33, v52;
	v42 =	vsel vm15, v34, v46;
	v34 =	vld.idx.msk [tilespmem:v43+s14+$0x0], $0xffff  }
0x78: {  	v39 =	vmul.f32 v50, v39;
	v43 =	vld.idx.msk [tilespmem:v43+s12+$0x0], $0xffff;
	v63 =	vmul.f32 v44, v37  }
0x79: {  	v38 =	vor.u32 $0x1, v36;
	v44 =	vmul.f32 v41, v61;
	v52 =	vmul.f32 v33, v62  }
0x7a: {  	s11 =	simm.s32 $0x4;
	v46 =	vperm.xlane v2, v38;
	v45 =	vor.u32 $0x2, v42;
	v47 =	vsub.f32 $1.500000000e+00, v63  }
0x7b: {  	s21 =	simm.s32 $0x3;
	s7 =	simm.s32 $0x180;
	s13 =	simm.s32 $0x60;
	[tilespmem:s26+$0x8010] =	vst v48;
	v41 =	vmul.f32 v40, v35;
	v48 =	vmul.f32 v44, v49;
	v35 =	vsub.f32 $1.500000000e+00, v52  }
.LBB2_3:
0x7c: {  	s1 =	sand.u32 $0x3, s21;
	s22 =	sand.u32 $0x60, s13;
	s5 =	sand.u32 $0x3E00, s7;
	v47 =	vmul.f32 v47, v37;
	v49 =	vperm.xlane v2, v45;
	v37 =	vmax.f32 v29, $9.999999970e-07  }
0x7d: {  	s11 =	sadd.s32 $0x2, s11;
	vm0 =	vlt.f32 v25, v46;
	v40 =	vmul.f32 v40, v43;
	s1 =	sshll.u32 s1, $0x5;
	s22 =	sor.u32 s22, s5;
	v29 =	vmul.f32 v48, v44  }
0x7e: {  	p1 =	slt.u32 s11, $0xFE;
	v46 =	vmul.f32 v37, v21;
	v21 =	vmovc v39;
	s5 =	sadd.s32 s1, s7;
	v43 =	vld [tilespmem:s22+$0x10];
	v25 =	vmin.f32 v47, $1.000000000e+06;
	vm1 =	vlt.f32 v28, v49  }
0x7f: {  	v36 =	vsel vm0, v38, v36;
	s1 =	sor.u32 $0x180, s5;
	v39 =	vld [tilespmem:s22+$0x110];
	s5 =	sadd.s32 $0x10, s5;
	v29 =	vsub.f32 $1.500000000e+00, v29;
	v25 =	vmul.f32 v25, v27;
	[tilespmem:s26+$0x8000] =	vst v40  }
0x80: {  	v41 =	vmul.f32 v41, v34;
	v52 =	vmul.f32 v31, v6;
	v6 =	vmovc v12;
	v40 =	vsel vm1, v45, v42;
	v38 =	vld [tilespmem:s22+$0x90];
	s5 =	sor.u32 $0x180, s5  }
0x81: {  	v12 =	vmovc v20;
	v34 =	vor.u32 $0x1, v40;
	v42 =	vld [tilespmem:s1+$0x0];
	v29 =	vmul.f32 v29, v44;
	vm0 =	vlt.f32 v25, v3  }
0x82: {  	v48 =	vmul.f32 v41, v4;
	v4 =	vmovc v14;
	v20 =	vperm.xlane v2, v34;
	v44 =	vld [tilespmem:s5+$0x0];
	v45 =	vsel vm0, $0x8, v1;
	[tilespmem:s26+$0x8090] =	vst v52  }
0x83: {  	v14 =	vmovc v23;
	v49 =	vld [tilespmem:s22+$0x100];
	v50 =	vmul.f32 v29, v30;
	v30 =	vmin.f32 v29, $1.000000000e+06;
	v51 =	vor.u32 $0x4, v45;
	v27 =	vmovc v43  }
0x84: {  	v54 =	vmul.f32 v31, v5;
	v5 =	vmovc v9;
	vm0 =	vlt.f32 v28, v20;
	v52 =	vld [tilespmem:s22+$0x80];
	v23 =	vmul.f32 v39, v39  }
0x85: {  	v15 =	vmul.f32 v31, v15;
	v9 =	vmovc v16;
	v53 =	vsel vm0, v34, v40;
	v28 =	vmul.f32 v38, v38  }
0x86: {  	v29 =	vmul.f32 v47, v26;
	v26 =	vperm.xlane v2, v51;
	v16 =	vmovc v39;
	v20 =	vmov v38;
	[tilespmem:s26+$0x8110] =	vst v54  }
0x87: {  	v35 =	vmul.f32 v33, v35;
	v38 =	vld [tilespmem:s22+$0x0];
	v23 =	vadd.f32 v23, v28;
	v28 =	vmul.f32 v44, v44;
	[tilespmem:s28+$0x8000] =	vst v15;
	s28 =	smov.u32 s31;
	s31 =	smov.u32 s2;
	s2 =	smov.u32 s5  }
0x88: {  	v31 =	vmul.f32 v43, v27;
	vm0 =	vlt.f32 v25, v26;
	v15 =	vmul.f32 v49, v49;
	v33 =	vld.idx.msk [tilespmem:v36+s12+$0x0], $0xffff  }
0x89: {  	v26 =	vmul.f32 v52, v52;
	v39 =	vadd.f32 v28, v23;
	v28 =	vmul.f32 v30, v32;
	v32 =	vld.idx.msk [tilespmem:v36+s14+$0x0], $0xffff  }
0x8a: {  	v13 =	vmul.f32 v41, v13;
	v30 =	vmul.f32 v42, v42;
	v36 =	vsel vm0, v51, v45;
	v34 =	vld.idx.msk [tilespmem:v53+s14+$0x0], $0xffff  }
0x8b: {  	v45 =	vmul.f32 v41, v7;
	v40 =	vadd.f32 v15, v26;
	v26 =	vadd.f32 v39, v31;
	v23 =	vmovc v42  }
0x8c: {  	v41 =	vor.u32 $0x2, v36;
	vm0 =	vlt.f32 v28, v3;
	v31 =	vmul.f32 v38, v38;
	[tilespmem:s26+$0x8080] =	vst v13;
	v15 =	vmovc v11  }
0x8d: {  	v11 =	vmovc v17;
	v17 =	vmovc v44;
	v42 =	vadd.f32 v30, v40;
	v13 =	vshra.s32 v26, $0x1;
	v43 =	vmul.f32 $5.000000000e-01, v26;
	[tilespmem:s26+$0x8100] =	vst v45;
	s26 =	smov.u32 s30;
	s30 =	smov.u32 s4;
	s4 =	smov.u32 s22  }
0x8e: {  	v7 =	vmovc v8;
	v8 =	vmovc v18;
	v47 =	vperm.xlane v2, v41;
	v44 =	vsel vm0, $0x8, v1;
	v40 =	vsub.s32 $0x5F3759DF, v13;
	[tilespmem:s29+$0x8000] =	vst v48;
	s29 =	smov.u32 s0;
	s0 =	smov.u32 s3;
	s3 =	smov.u32 s1  }
0x8f: {  	v18 =	vmovc v49;
	v30 =	vadd.f32 v42, v31;
	v45 =	vmul.f32 v40, v43;
	v31 =	vmul.f32 v46, v32  }
0x90: {  	vm0 =	vlt.f32 v25, v47;
	v33 =	vmul.f32 v37, v33;
	v46 =	vor.u32 $0x4, v44;
	v13 =	vmovc v10;
	v10 =	vmovc v19  }
0x91: {  	v32 =	vmovc v38;
	v19 =	vmovc v52;
	v37 =	vshra.s32 v30, $0x1;
	v48 =	vmul.f32 $5.000000000e-01, v30;
	v45 =	vmul.f32 v40, v45  }
0x92: {  	v36 =	vsel vm0, v41, v36;
	v49 =	vperm.xlane v2, v46;
	v47 =	vsub.s32 $0x5F3759DF, v37;
	[tilespmem:s26+$0x8010] =	vst v33  }
0x93: {  	v38 =	vshra.s32 v39, $0x1;
	v33 =	vmul.f32 v47, v48;
	v37 =	vsub.f32 $1.500000000e+00, v45  }
0x94: {  	v39 =	vmul.f32 $5.000000000e-01, v39;
	v51 =	vsub.s32 $0x5F3759DF, v38;
	v38 =	vor.u32 $0x1, v36  }
0x95: {  	v41 =	vmul.f32 $5.000000000e-01, v42;
	v37 =	vmul.f32 v40, v37;
	v40 =	vmax.f32 v22, $9.999999970e-07;
	v22 =	vmovc v50  }
0x96: {  	v39 =	vmul.f32 v51, v39;
	v45 =	vmul.f32 v47, v33;
	v33 =	vshra.s32 v42, $0x1  }
0x97: {  	vm0 =	vlt.f32 v28, v49;
	v33 =	vsub.s32 $0x5F3759DF, v33;
	v42 =	vmul.f32 v37, v43  }
.Ltmp0:
0x98: {  	v39 =	vmul.f32 v51, v39;
	v45 =	vsub.f32 $1.500000000e+00, v45;
	v41 =	vmul.f32 v33, v41;
	v43 =	vld.idx.msk [tilespmem:v53+s12+$0x0], $0xffff;
	(pc) =	sbr.rel @p1 .LBB2_3-.Ltmp0, $4  }
0x99: {  	v49 =	vmul.f32 v42, v37;
	v42 =	vsel vm0, v46, v44;
	v46 =	vperm.xlane v2, v38  }
0x9a: {  	v39 =	vsub.f32 $1.500000000e+00, v39;
	v44 =	vmul.f32 v47, v45;
	v50 =	vmul.f32 v33, v41  }
0x9b: {  	v41 =	vmul.f32 v40, v24;
	v24 =	vmovc v35;
	v45 =	vor.u32 $0x2, v42;
	v47 =	vsub.f32 $1.500000000e+00, v49  }
0x9c: {  	s21 =	sadd.s32 $0x1, s21;
	s13 =	sadd.s32 $0x20, s13;
	s7 =	sadd.s32 $0x80, s7;
	v39 =	vmul.f32 v51, v39;
	v48 =	vmul.f32 v44, v48;
	v35 =	vsub.f32 $1.500000000e+00, v50  }
0x9d: {  	_ = 	snop  }
0x9e: {  	v48 =	vmul.f32 v48, v44  }
0x9f: {  	v37 =	vmul.f32 v47, v37  }
0xa0: {  	v57 =	vsub.f32 $1.500000000e+00, v48  }
0xa1: {  	v58 =	vmin.f32 v37, $1.000000000e+06  }
0xa2: {  	v27 =	vmul.f32 v58, v27;
	v44 =	vmul.f32 v57, v44;
	_ =	sdelay $0x1  }
0xa3: {  	v60 =	vperm.xlane v2, v45;
	vm0 =	vlt.f32 v27, v3;
	v47 =	vmin.f32 v44, $1.000000000e+06  }
0xa4: {  	v59 =	vsel vm0, $0x8, v1;
	v32 =	vmul.f32 v47, v32  }
0xa5: {  	vm8 =	vlt.f32 v28, v60;
	v49 =	vor.u32 $0x4, v59  }
0xa6: {  	v42 =	vsel vm8, v45, v42;
	v50 =	vperm.xlane v2, v49;
	vm7 =	vlt.f32 v32, v3  }
0xa7: {  	v63 =	vor.u32 $0x1, v42;
	v51 =	vsel vm7, $0x8, v1  }
0xa8: {  	v53 =	vperm.xlane v2, v63;
	vm9 =	vlt.f32 v27, v50;
	v61 =	vor.u32 $0x4, v51  }
0xa9: {  	vm1 =	vlt.f32 v25, v46;
	v52 =	vsel vm9, v49, v59;
	v62 =	vperm.xlane v2, v61  }
0xaa: {  	v36 =	vsel vm1, v38, v36;
	vm11 =	vlt.f32 v28, v53;
	v54 =	vor.u32 $0x2, v52  }
0xab: {  	v25 =	vsel vm11, v63, v42;
	v56 =	vperm.xlane v2, v54;
	vm10 =	vlt.f32 v32, v62  }
0xac: {  	v55 =	vsel vm10, v61, v51  }
0xad: {  	v5 =	vmul.f32 v31, v5;
	vm12 =	vlt.f32 v27, v56;
	v57 =	vor.u32 $0x2, v55  }
0xae: {  	v34 =	vmul.f32 v41, v34;
	v59 =	vsel vm12, v54, v52;
	v58 =	vperm.xlane v2, v57  }
0xaf: {  	v40 =	vmul.f32 v40, v43;
	[tilespmem:s26+$0x8110] =	vst v5;
	v60 =	vld.idx.msk [tilespmem:v36+s12+$0x0], $0xffff;
	v45 =	vor.u32 $0x1, v59  }
0xb0: {  	v5 =	vmul.f32 v34, v13;
	v41 =	vld.idx.msk [tilespmem:v25+s12+$0x0], $0xffff;
	v61 =	vperm.xlane v2, v45;
	vm13 =	vlt.f32 v32, v58  }
0xb1: {  	[tilespmem:s26+$0x8000] =	vst v40;
	v7 =	vmul.f32 v34, v7;
	v46 =	vld.idx.msk [tilespmem:v25+s14+$0x0], $0xffff;
	v28 =	vsel vm13, v57, v55  }
0xb2: {  	v4 =	vmul.f32 v34, v4;
	[tilespmem:s26+$0x8080] =	vst v5;
	v62 =	vld.idx.msk [tilespmem:v36+s14+$0x0], $0xffff;
	vm14 =	vlt.f32 v27, v61;
	v63 =	vor.u32 $0x1, v28  }
0xb3: {  	v48 =	vmax.f32 v22, $9.999999970e-07;
	[tilespmem:s26+$0x8100] =	vst v7;
	v45 =	vsel vm14, v45, v59;
	v42 =	vperm.xlane v2, v63  }
0xb4: {  	v6 =	vmul.f32 v31, v6;
	v29 =	vmax.f32 v29, $9.999999970e-07;
	[tilespmem:s29+$0x8000] =	vst v4;
	v4 =	vmul.f32 v48, v24  }
0xb5: {  	v15 =	vmul.f32 v31, v15;
	v21 =	vmul.f32 v29, v21;
	vm15 =	vlt.f32 v32, v42  }
0xb6: {  	[tilespmem:s26+$0x8090] =	vst v6;
	v47 =	vmul.f32 v29, v60;
	v4 =	vmul.f32 v4, v46;
	v5 =	vsel vm15, v63, v28  }
0xb7: {  	[tilespmem:s28+$0x8000] =	vst v15;
	v6 =	vmul.f32 v21, v62;
	v21 =	vmul.f32 v48, v41  }
0xb8: {  	v49 =	vmul.f32 v37, v26;
	[tilespmem:s30+$0x8010] =	vst v47;
	v55 =	vmul.f32 v4, v10;
	v13 =	vld.idx.msk [tilespmem:v45+s14+$0x0], $0xffff  }
0xb9: {  	v57 =	vmul.f32 v4, v8;
	[tilespmem:s30+$0x8000] =	vst v21;
	v51 =	vld.idx.msk [tilespmem:v45+s12+$0x0], $0xffff  }
0xba: {  	v53 =	vmul.f32 v44, v30;
	v54 =	vmax.f32 v49, $9.999999970e-07;
	v50 =	vmul.f32 v6, v12;
	[tilespmem:s30+$0x8080] =	vst v55  }
0xbb: {  	v56 =	vmul.f32 v54, v39;
	v9 =	vmul.f32 v6, v9;
	[tilespmem:s30+$0x8100] =	vst v57;
	v52 =	vld.idx.msk [tilespmem:v5+s12+$0x0], $0xffff  }
0xbc: {  	v58 =	vmul.f32 v33, v35;
	v4 =	vmul.f32 v4, v14;
	[tilespmem:s30+$0x8090] =	vst v50;
	v5 =	vld.idx.msk [tilespmem:v5+s14+$0x0], $0xffff  }
0xbd: {  	v6 =	vmul.f32 v6, v11;
	[tilespmem:s30+$0x8110] =	vst v9;
	v59 =	vmul.f32 v56, v13  }
0xbe: {  	v61 =	vmax.f32 v53, $9.999999970e-07;
	[tilespmem:s0+$0x8000] =	vst v4;
	v60 =	vmul.f32 v54, v51  }
0xbf: {  	v4 =	vmul.f32 v61, v58;
	[tilespmem:s31+$0x8000] =	vst v6;
	v62 =	vmul.f32 v59, v20  }
0xc0: {  	[tilespmem:s4+$0x8010] =	vst v60;
	v7 =	vmul.f32 v61, v52  }
0xc1: {  	[tilespmem:s4+$0x8090] =	vst v62;
	v4 =	vmul.f32 v4, v5;
	v5 =	vmul.f32 v59, v16  }
0xc2: {  	v6 =	vmul.f32 v59, v17;
	[tilespmem:s4+$0x8000] =	vst v7  }
0xc3: {  	p1 =	sne.s32 s23, $0x1F;
	[tilespmem:s4+$0x8110] =	vst v5;
	v5 =	vmul.f32 v4, v19  }
.Ltmp1:
0xc4: {  	v63 =	vmul.f32 v4, v18;
	[tilespmem:s2+$0x8000] =	vst v6;
	(pc) =	sbr.rel @p1 .LBB2_6-.Ltmp1, $4  }
0xc5: {  	v4 =	vmul.f32 v4, v23;
	[tilespmem:s4+$0x8080] =	vst v5  }
0xc6: {  	[tilespmem:s4+$0x8100] =	vst v63  }
0xc7: {  	s31 =	sadd.s32 s25, s9;
	[tilespmem:s3+$0x8000] =	vst v4  }
0xc8: {  	[hbm4b:s31+s6] =	stream.linear.scatter [tilespmem:s17], [sflag:$0x3], $0x4000, $0x38;
	[tilespmem:$0x10020] =	vst v63  }
.Ltmp2:
0xc9: {  	(pc) =	sbr.rel .LBB2_7-.Ltmp2, $4  }
0xca: {  	_ = 	snop  }
0xcb: {  	_ =	swait.ge [sflag:s18], $0x4000  }
0xcc: {  	[sflag:s18] =	ssyncset.done $0x0  }
0xcd: {  	[sflag:s18] =	ssyncadd.s32 $0xFFFFC000  }
.LBB2_6:
0xce: {  	s0 =	rddreg [dreg:$0x6]  }
.Ltmp3:
0xcf: {  	s0 =	sadd.s32 s25, s0;
	(pc) =	sbr.rel @p0 .LBB2_8-.Ltmp3, $4  }
0xd0: {  	[tilespmem:s6], [sflag:$0x1] =	stream.linear.gather [hbm4b:s0+s6], $0x4000, $0x38;
	[tilespmem:$0x10020] =	vst v63  }
0xd1: {  	_ =	swait.ge [sflag:s18], $0x4000  }
0xd2: {  	[sflag:s18] =	ssyncset.done $0x0  }
0xd3: {  	[sflag:s18] =	ssyncadd.s32 $0xFFFFC000  }
.LBB2_7:
0xd4: {  	_ =	swait.ge [sflag:s19], $0x4000  }
0xd5: {  	[sflag:s19] =	ssyncset.done $0x0  }
0xd6: {  	[sflag:s19] =	ssyncadd.s32 $0xFFFFC000  }
.LBB2_8:
0xd7: {  	s0 =	simm.s32 $0x0  }
0xd8: {  	s1 =	sand.u32 $0x3, s0;
	s2 =	sand.u32 $0x60, s0;
	s0 =	sand.u32 $0x3E00, s0  }
0xd9: {  	s1 =	sshll.u32 s1, $0x5;
	s25 =	sor.u32 s2, s0  }
0xda: {  	s4 =	sadd.s32 $0x0, s1;
	v5 =	vld [tilespmem:s25+$0x4110]  }
0xdb: {  	v6 =	vld [tilespmem:s25+$0x4090];
	s1 =	sadd.s32 $0x10, s4  }
0xdc: {  	s26 =	sor.u32 $0x4180, s1  }
0xdd: {  	v15 =	vld [tilespmem:s26+$0x0];
	_ =	sdelay $0x1  }
0xde: {  	v10 =	vld [tilespmem:s25+$0x4010]  }
0xdf: {  	v4 =	vmul.f32 v5, v5;
	v8 =	vmul.f32 v6, v6  }
0xe0: {  	v7 =	vld [tilespmem:s25+$0x4100]  }
0xe1: {  	v13 =	vld [tilespmem:s25+$0x4080];
	v8 =	vadd.f32 v4, v8;
	v9 =	vmul.f32 v15, v15  }
0xe2: {  	s28 =	sor.u32 $0x4180, s4  }
0xe3: {  	v11 =	vmul.f32 v10, v10;
	v4 =	vld [tilespmem:s28+$0x0];
	v8 =	vadd.f32 v9, v8;
	_ =	sdelay $0x1  }
0xe4: {  	v16 =	vld [tilespmem:s25+$0x4000];
	v17 =	vadd.f32 v8, v11  }
0xe5: {  	v9 =	vmul.f32 v7, v7;
	v11 =	vmul.f32 v13, v13  }
0xe6: {  	v12 =	vshra.s32 v17, $0x1;
	v14 =	vmul.f32 $5.000000000e-01, v17  }
0xe7: {  	v18 =	vmul.f32 v4, v4;
	v9 =	vadd.f32 v9, v11;
	v11 =	vsub.s32 $0x5F3759DF, v12  }
0xe8: {  	v12 =	vmul.f32 v11, v14  }
0xe9: {  	v19 =	vmul.f32 v16, v16;
	v9 =	vadd.f32 v18, v9  }
0xea: {  	s5 =	simm.s32 $0x80;
	s11 =	simm.s32 $0x20;
	v12 =	vmul.f32 v11, v12  }
0xeb: {  	s2 =	sand.u32 $0x60, s11;
	s0 =	sand.u32 $0x3E00, s5;
	v18 =	vadd.f32 v9, v19  }
0xec: {  	s29 =	sor.u32 s2, s0;
	v12 =	vsub.f32 $1.500000000e+00, v12  }
0xed: {  	v25 =	vld [tilespmem:s29+$0x4010];
	v19 =	vshra.s32 v18, $0x1;
	v20 =	vmul.f32 $5.000000000e-01, v18  }
0xee: {  	v19 =	vsub.s32 $0x5F3759DF, v19;
	v11 =	vmul.f32 v11, v12  }
0xef: {  	v12 =	vmul.f32 v19, v20  }
0xf0: {  	v14 =	vmul.f32 v11, v14  }
0xf1: {  	s7 =	simm.s32 $0x1;
	v12 =	vmul.f32 v19, v12  }
0xf2: {  	s1 =	sand.u32 $0x3, s7;
	v32 =	vmul.f32 v25, v25;
	v21 =	vshra.s32 v8, $0x1;
	v14 =	vmul.f32 v14, v11  }
0xf3: {  	v30 =	vld [tilespmem:s29+$0x4000];
	s1 =	sshll.u32 s1, $0x5;
	v22 =	vmul.f32 $5.000000000e-01, v9;
	v23 =	vshra.s32 v9, $0x1;
	v12 =	vsub.f32 $1.500000000e+00, v12  }
0xf4: {  	s13 =	sadd.s32 $0x80, s1;
	v8 =	vmul.f32 $5.000000000e-01, v8;
	v9 =	vld [tilespmem:s29+$0x4110];
	v23 =	vsub.s32 $0x5F3759DF, v23;
	v14 =	vsub.f32 $1.500000000e+00, v14  }
0xf5: {  	s1 =	sadd.s32 $0x10, s13;
	v21 =	vsub.s32 $0x5F3759DF, v21;
	v22 =	vmul.f32 v23, v22;
	v19 =	vmul.f32 v19, v12;
	v12 =	vld [tilespmem:s29+$0x4090]  }
0xf6: {  	s30 =	sor.u32 $0x4180, s1;
	v8 =	vmul.f32 v21, v8;
	v24 =	vmul.f32 v14, v11  }
0xf7: {  	v22 =	vmul.f32 v23, v22;
	v14 =	vmul.f32 v19, v20;
	v11 =	vld [tilespmem:s30+$0x0]  }
0xf8: {  	v62 =	vmul.f32 v30, v30;
	v20 =	vmul.f32 v21, v8;
	v8 =	vld [tilespmem:s29+$0x4100];
	v26 =	vmin.f32 v24, $1.000000000e+06  }
0xf9: {  	v22 =	vsub.f32 $1.500000000e+00, v22;
	v14 =	vmul.f32 v14, v19;
	v26 =	vmul.f32 v26, v10;
	v10 =	vld [tilespmem:s29+$0x4080]  }
0xfa: {  	s0 =	sor.u32 $0x4180, s13;
	v27 =	vmul.f32 v9, v9;
	v28 =	vmul.f32 v12, v12  }
0xfb: {  	v35 =	vmul.f32 v23, v22;
	v20 =	vsub.f32 $1.500000000e+00, v20;
	v29 =	vsub.f32 $1.500000000e+00, v14;
	v14 =	vld [tilespmem:s0+$0x0]  }
0xfc: {  	vm0 =	vlt.f32 v26, v3;
	v27 =	vadd.f32 v27, v28;
	v28 =	vmul.f32 v11, v11  }
0xfd: {  	v31 =	vmul.f32 v8, v8;
	v19 =	vmul.f32 v29, v19;
	v29 =	vsel vm0, $0x8, v1  }
0xfe: {  	v27 =	vadd.f32 v28, v27;
	v28 =	vmul.f32 v21, v20;
	v34 =	vmul.f32 v10, v10  }
0xff: {  	v33 =	vmul.f32 v19, v18;
	v18 =	vor.u32 $0x4, v29;
	v19 =	vmin.f32 v19, $1.000000000e+06  }
0x100: {  	v20 =	vmul.f32 v14, v14;
	v21 =	vadd.f32 v31, v34;
	v31 =	vadd.f32 v27, v32  }
0x101: {  	v61 =	vperm.xlane v2, v18;
	v63 =	vmul.f32 v19, v16  }
0x102: {  	v20 =	vadd.f32 v20, v21;
	v21 =	vshra.s32 v31, $0x1;
	v36 =	vmul.f32 $5.000000000e-01, v31  }
0x103: {  	v17 =	vmul.f32 v24, v17;
	vm5 =	vlt.f32 v26, v61;
	v16 =	vsub.s32 $0x5F3759DF, v21  }
0x104: {  	vm6 =	vlt.f32 v63, v3;
	v19 =	vadd.f32 v20, v62;
	v21 =	vmul.f32 v16, v36  }
0x105: {  	v23 =	vshra.s32 v27, $0x1;
	v18 =	vsel vm5, v18, v29;
	v37 =	vsel vm6, $0x8, v1  }
0x106: {  	v29 =	vshra.s32 v19, $0x1;
	v34 =	vmul.f32 $5.000000000e-01, v19;
	v21 =	vmul.f32 v16, v21  }
0x107: {  	v24 =	vor.u32 $0x2, v18;
	v39 =	vor.u32 $0x4, v37;
	v29 =	vsub.s32 $0x5F3759DF, v29  }
0x108: {  	v38 =	vperm.xlane v2, v24;
	v40 =	vmul.f32 v29, v34;
	v21 =	vsub.f32 $1.500000000e+00, v21  }
0x109: {  	v23 =	vsub.s32 $0x5F3759DF, v23;
	v22 =	vperm.xlane v2, v39;
	v47 =	vmul.f32 $5.000000000e-01, v20  }
0x10a: {  	vm7 =	vlt.f32 v26, v38;
	v16 =	vmul.f32 v16, v21;
	v21 =	vmul.f32 v29, v40  }
0x10b: {  	v20 =	vshra.s32 v20, $0x1;
	v18 =	vsel vm7, v24, v18;
	v24 =	vmul.f32 $5.000000000e-01, v27  }
0x10c: {  	v46 =	vor.u32 $0x1, v18;
	v27 =	vmul.f32 v16, v36;
	v21 =	vsub.f32 $1.500000000e+00, v21  }
0x10d: {  	v48 =	vsub.s32 $0x5F3759DF, v20;
	v24 =	vmul.f32 v23, v24;
	v49 =	vperm.xlane v2, v46  }
0x10e: {  	s21 =	simm.s32 $0x100;
	s3 =	simm.s32 $0x40;
	vm8 =	vlt.f32 v63, v22;
	v20 =	vmul.f32 v27, v16;
	v29 =	vmul.f32 v29, v21  }
0x10f: {  	s3 =	sand.u32 $0x60, s3;
	s1 =	sand.u32 $0x3E00, s21;
	v22 =	vmul.f32 v23, v24;
	v24 =	vsel vm8, v39, v37;
	v21 =	vmul.f32 v48, v47  }
0x110: {  	s22 =	simm.s32 $0x2;
	s4 =	sor.u32 s3, s1;
	vm9 =	vlt.f32 v26, v49;
	v20 =	vsub.f32 $1.500000000e+00, v20;
	v27 =	vmul.f32 v29, v34  }
0x111: {  	s2 =	sand.u32 $0x3, s22;
	v32 =	vld [tilespmem:s4+$0x4000];
	v50 =	vor.u32 $0x2, v24;
	v22 =	vsub.f32 $1.500000000e+00, v22;
	v21 =	vmul.f32 v48, v21  }
0x112: {  	s2 =	sshll.u32 s2, $0x5;
	v54 =	vsel vm9, v46, v18;
	v18 =	vld [tilespmem:s4+$0x4100];
	v51 =	vmul.f32 v20, v16;
	v20 =	vmul.f32 v27, v29  }
0x113: {  	s31 =	sadd.s32 $0x100, s2;
	v52 =	vsub.f32 $1.500000000e+00, v21;
	v21 =	vmul.f32 v23, v22;
	v22 =	vperm.xlane v2, v50;
	v16 =	vld [tilespmem:s4+$0x4110]  }
0x114: {  	s2 =	sadd.s32 $0x10, s31;
	v41 =	vmax.f32 v17, $9.999999970e-07;
	v23 =	vsub.f32 $1.500000000e+00, v20;
	v20 =	vld [tilespmem:s4+$0x4090]  }
0x115: {  	s2 =	sor.u32 $0x4180, s2;
	v53 =	vmul.f32 v41, v28;
	v27 =	vld [tilespmem:s4+$0x4010];
	v17 =	vmin.f32 v51, $1.000000000e+06;
	vm1 =	vlt.f32 v63, v22  }
0x116: {  	v25 =	vmul.f32 v17, v25;
	v24 =	vsel vm1, v50, v24;
	v17 =	vld [tilespmem:s2+$0x0];
	v26 =	vmul.f32 v23, v29  }
0x117: {  	v60 =	vmul.f32 v32, v32;
	v58 =	vmul.f32 v18, v18;
	v28 =	vor.u32 $0x1, v24  }
0x118: {  	s3 =	sor.u32 $0x4180, s31;
	vm10 =	vlt.f32 v25, v3;
	v29 =	vperm.xlane v2, v28;
	v22 =	vmul.f32 v26, v19;
	v19 =	vld [tilespmem:s4+$0x4080]  }
0x119: {  	v23 =	vld [tilespmem:s3+$0x0];
	v42 =	vmul.f32 v16, v16;
	v55 =	vsel vm10, $0x8, v1;
	v43 =	vmul.f32 v20, v20  }
0x11a: {  	v59 =	vmul.f32 v27, v27;
	v26 =	vmin.f32 v26, $1.000000000e+06;
	v44 =	vor.u32 $0x4, v55  }
0x11b: {  	v36 =	vld.idx.msk [tilespmem:v54+s12+$0x0], $0xffff;
	vm11 =	vlt.f32 v63, v29;
	v57 =	vmul.f32 v17, v17;
	v56 =	vadd.f32 v42, v43  }
0x11c: {  	v29 =	vmul.f32 v51, v31;
	v31 =	vperm.xlane v2, v44;
	v43 =	vsel vm11, v28, v24  }
0x11d: {  	v24 =	vmul.f32 v48, v52;
	v45 =	vmul.f32 v19, v19;
	v37 =	vadd.f32 v57, v56  }
0x11e: {  	v28 =	vmul.f32 v26, v30;
	v30 =	vmul.f32 v23, v23;
	vm12 =	vlt.f32 v25, v31  }
0x11f: {  	v38 =	vsel vm12, v44, v55;
	v39 =	vadd.f32 v58, v45;
	v26 =	vadd.f32 v37, v59  }
0x120: {  	v48 =	vmul.f32 v41, v36;
	vm13 =	vlt.f32 v28, v3;
	v61 =	vor.u32 $0x2, v38  }
0x121: {  	v39 =	vadd.f32 v30, v39;
	v30 =	vshra.s32 v26, $0x1;
	v62 =	vmul.f32 $5.000000000e-01, v26  }
0x122: {  	v46 =	vsel vm13, $0x8, v1;
	v47 =	vperm.xlane v2, v61;
	v63 =	vsub.s32 $0x5F3759DF, v30  }
0x123: {  	v31 =	vld.idx.msk [tilespmem:v54+s14+$0x0], $0xffff;
	v34 =	vor.u32 $0x4, v46;
	v58 =	vshra.s32 v37, $0x1;
	v54 =	vmul.f32 v63, v62  }
0x124: {  	v51 =	vmul.f32 $5.000000000e-01, v37;
	v56 =	vperm.xlane v2, v34;
	v30 =	vadd.f32 v39, v60  }
0x125: {  	v50 =	vsub.s32 $0x5F3759DF, v58;
	vm14 =	vlt.f32 v25, v47;
	v40 =	vmul.f32 v63, v54  }
0x126: {  	v60 =	vmul.f32 v50, v51;
	v55 =	vshra.s32 v30, $0x1;
	v49 =	vmul.f32 $5.000000000e-01, v30  }
0x127: {  	v52 =	vmul.f32 $5.000000000e-01, v39;
	v41 =	vsub.s32 $0x5F3759DF, v55;
	v40 =	vsub.f32 $1.500000000e+00, v40  }
0x128: {  	v59 =	vshra.s32 v39, $0x1;
	v39 =	vmul.f32 v50, v60;
	v57 =	vmul.f32 v41, v49  }
0x129: {  	v31 =	vmul.f32 v53, v31;
	v36 =	vsel vm14, v61, v38;
	v37 =	vmul.f32 v63, v40  }
0x12a: {  	vm15 =	vlt.f32 v28, v56;
	v39 =	vsub.f32 $1.500000000e+00, v39;
	v42 =	vmul.f32 v41, v57  }
0x12b: {  	v40 =	vmax.f32 v33, $9.999999970e-07;
	v33 =	vsub.s32 $0x5F3759DF, v59;
	v44 =	vmul.f32 v37, v62  }
0x12c: {  	v61 =	vsub.f32 $1.500000000e+00, v42;
	v62 =	vmul.f32 v33, v52;
	v42 =	vsel vm15, v34, v46;
	v34 =	vld.idx.msk [tilespmem:v43+s14+$0x0], $0xffff  }
0x12d: {  	v39 =	vmul.f32 v50, v39;
	v43 =	vld.idx.msk [tilespmem:v43+s12+$0x0], $0xffff;
	v63 =	vmul.f32 v44, v37  }
0x12e: {  	v38 =	vor.u32 $0x1, v36;
	v44 =	vmul.f32 v41, v61;
	v52 =	vmul.f32 v33, v62  }
0x12f: {  	s11 =	simm.s32 $0x4;
	v46 =	vperm.xlane v2, v38;
	v45 =	vor.u32 $0x2, v42;
	v47 =	vsub.f32 $1.500000000e+00, v63  }
0x130: {  	s7 =	simm.s32 $0x180;
	s13 =	simm.s32 $0x60;
	s21 =	simm.s32 $0x3;
	[tilespmem:s25+$0xC010] =	vst v48;
	v41 =	vmul.f32 v40, v35;
	v48 =	vmul.f32 v44, v49;
	v35 =	vsub.f32 $1.500000000e+00, v52  }
.LBB2_9:
0x131: {  	s1 =	sand.u32 $0x3, s21;
	s5 =	sand.u32 $0x60, s13;
	s22 =	sand.u32 $0x3E00, s7;
	v47 =	vmul.f32 v47, v37;
	v49 =	vperm.xlane v2, v45;
	v37 =	vmax.f32 v29, $9.999999970e-07  }
0x132: {  	s11 =	sadd.s32 $0x2, s11;
	vm0 =	vlt.f32 v25, v46;
	v40 =	vmul.f32 v40, v43;
	s1 =	sshll.u32 s1, $0x5;
	s22 =	sor.u32 s5, s22;
	v29 =	vmul.f32 v48, v44  }
0x133: {  	p0 =	slt.u32 s11, $0xFE;
	v46 =	vmul.f32 v37, v21;
	v21 =	vmovc v39;
	s5 =	sadd.s32 s1, s7;
	v43 =	vld [tilespmem:s22+$0x4010];
	v25 =	vmin.f32 v47, $1.000000000e+06;
	vm1 =	vlt.f32 v28, v49  }
0x134: {  	v36 =	vsel vm0, v38, v36;
	s1 =	sor.u32 $0x4180, s5;
	v39 =	vld [tilespmem:s22+$0x4110];
	s5 =	sadd.s32 $0x10, s5;
	v29 =	vsub.f32 $1.500000000e+00, v29;
	v25 =	vmul.f32 v25, v27;
	[tilespmem:s25+$0xC000] =	vst v40  }
0x135: {  	v41 =	vmul.f32 v41, v34;
	v52 =	vmul.f32 v31, v6;
	v6 =	vmovc v12;
	v40 =	vsel vm1, v45, v42;
	v38 =	vld [tilespmem:s22+$0x4090];
	s5 =	sor.u32 $0x4180, s5  }
0x136: {  	v12 =	vmovc v20;
	v34 =	vor.u32 $0x1, v40;
	v42 =	vld [tilespmem:s1+$0x0];
	v29 =	vmul.f32 v29, v44;
	vm0 =	vlt.f32 v25, v3  }
0x137: {  	v48 =	vmul.f32 v41, v4;
	v4 =	vmovc v14;
	v20 =	vperm.xlane v2, v34;
	v44 =	vld [tilespmem:s5+$0x0];
	v45 =	vsel vm0, $0x8, v1;
	[tilespmem:s25+$0xC090] =	vst v52  }
0x138: {  	v14 =	vmovc v23;
	v49 =	vld [tilespmem:s22+$0x4100];
	v50 =	vmul.f32 v29, v30;
	v30 =	vmin.f32 v29, $1.000000000e+06;
	v51 =	vor.u32 $0x4, v45;
	v27 =	vmovc v43  }
0x139: {  	v54 =	vmul.f32 v31, v5;
	v5 =	vmovc v9;
	vm0 =	vlt.f32 v28, v20;
	v52 =	vld [tilespmem:s22+$0x4080];
	v23 =	vmul.f32 v39, v39  }
0x13a: {  	v15 =	vmul.f32 v31, v15;
	v9 =	vmovc v16;
	v53 =	vsel vm0, v34, v40;
	v28 =	vmul.f32 v38, v38  }
0x13b: {  	v29 =	vmul.f32 v47, v26;
	v26 =	vperm.xlane v2, v51;
	v16 =	vmovc v39;
	v20 =	vmov v38;
	[tilespmem:s25+$0xC110] =	vst v54  }
0x13c: {  	v35 =	vmul.f32 v33, v35;
	v38 =	vld [tilespmem:s22+$0x4000];
	v23 =	vadd.f32 v23, v28;
	v28 =	vmul.f32 v44, v44;
	[tilespmem:s26+$0x8000] =	vst v15;
	s26 =	smov.u32 s30;
	s30 =	smov.u32 s2;
	s2 =	smov.u32 s5  }
0x13d: {  	v31 =	vmul.f32 v43, v27;
	vm0 =	vlt.f32 v25, v26;
	v15 =	vmul.f32 v49, v49;
	v33 =	vld.idx.msk [tilespmem:v36+s12+$0x0], $0xffff  }
0x13e: {  	v26 =	vmul.f32 v52, v52;
	v39 =	vadd.f32 v28, v23;
	v28 =	vmul.f32 v30, v32;
	v32 =	vld.idx.msk [tilespmem:v36+s14+$0x0], $0xffff  }
0x13f: {  	v13 =	vmul.f32 v41, v13;
	v30 =	vmul.f32 v42, v42;
	v36 =	vsel vm0, v51, v45;
	v34 =	vld.idx.msk [tilespmem:v53+s14+$0x0], $0xffff  }
0x140: {  	v45 =	vmul.f32 v41, v7;
	v40 =	vadd.f32 v15, v26;
	v26 =	vadd.f32 v39, v31;
	v23 =	vmovc v42  }
0x141: {  	v41 =	vor.u32 $0x2, v36;
	vm0 =	vlt.f32 v28, v3;
	v31 =	vmul.f32 v38, v38;
	[tilespmem:s25+$0xC080] =	vst v13;
	v15 =	vmovc v11  }
0x142: {  	v11 =	vmovc v17;
	v17 =	vmovc v44;
	v42 =	vadd.f32 v30, v40;
	v13 =	vshra.s32 v26, $0x1;
	v43 =	vmul.f32 $5.000000000e-01, v26;
	[tilespmem:s25+$0xC100] =	vst v45;
	s25 =	smov.u32 s29;
	s29 =	smov.u32 s4;
	s4 =	smov.u32 s22  }
0x143: {  	v7 =	vmovc v8;
	v8 =	vmovc v18;
	v47 =	vperm.xlane v2, v41;
	v44 =	vsel vm0, $0x8, v1;
	v40 =	vsub.s32 $0x5F3759DF, v13;
	[tilespmem:s28+$0x8000] =	vst v48;
	s28 =	smov.u32 s0;
	s0 =	smov.u32 s3;
	s3 =	smov.u32 s1  }
0x144: {  	v18 =	vmovc v49;
	v30 =	vadd.f32 v42, v31;
	v45 =	vmul.f32 v40, v43;
	v31 =	vmul.f32 v46, v32  }
0x145: {  	vm0 =	vlt.f32 v25, v47;
	v33 =	vmul.f32 v37, v33;
	v46 =	vor.u32 $0x4, v44;
	v13 =	vmovc v10;
	v10 =	vmovc v19  }
0x146: {  	v32 =	vmovc v38;
	v19 =	vmovc v52;
	v37 =	vshra.s32 v30, $0x1;
	v48 =	vmul.f32 $5.000000000e-01, v30;
	v45 =	vmul.f32 v40, v45  }
0x147: {  	v36 =	vsel vm0, v41, v36;
	v49 =	vperm.xlane v2, v46;
	v47 =	vsub.s32 $0x5F3759DF, v37;
	[tilespmem:s25+$0xC010] =	vst v33  }
0x148: {  	v38 =	vshra.s32 v39, $0x1;
	v33 =	vmul.f32 v47, v48;
	v37 =	vsub.f32 $1.500000000e+00, v45  }
0x149: {  	v39 =	vmul.f32 $5.000000000e-01, v39;
	v51 =	vsub.s32 $0x5F3759DF, v38;
	v38 =	vor.u32 $0x1, v36  }
0x14a: {  	v41 =	vmul.f32 $5.000000000e-01, v42;
	v37 =	vmul.f32 v40, v37;
	v40 =	vmax.f32 v22, $9.999999970e-07;
	v22 =	vmovc v50  }
0x14b: {  	v39 =	vmul.f32 v51, v39;
	v45 =	vmul.f32 v47, v33;
	v33 =	vshra.s32 v42, $0x1  }
0x14c: {  	vm0 =	vlt.f32 v28, v49;
	v33 =	vsub.s32 $0x5F3759DF, v33;
	v42 =	vmul.f32 v37, v43  }
.Ltmp4:
0x14d: {  	v39 =	vmul.f32 v51, v39;
	v45 =	vsub.f32 $1.500000000e+00, v45;
	v41 =	vmul.f32 v33, v41;
	v43 =	vld.idx.msk [tilespmem:v53+s12+$0x0], $0xffff;
	(pc) =	sbr.rel @p0 .LBB2_9-.Ltmp4, $4  }
0x14e: {  	v49 =	vmul.f32 v42, v37;
	v42 =	vsel vm0, v46, v44;
	v46 =	vperm.xlane v2, v38  }
0x14f: {  	v39 =	vsub.f32 $1.500000000e+00, v39;
	v44 =	vmul.f32 v47, v45;
	v50 =	vmul.f32 v33, v41  }
0x150: {  	v41 =	vmul.f32 v40, v24;
	v24 =	vmovc v35;
	v45 =	vor.u32 $0x2, v42;
	v47 =	vsub.f32 $1.500000000e+00, v49  }
0x151: {  	s21 =	sadd.s32 $0x1, s21;
	s13 =	sadd.s32 $0x20, s13;
	s7 =	sadd.s32 $0x80, s7;
	v39 =	vmul.f32 v51, v39;
	v48 =	vmul.f32 v44, v48;
	v35 =	vsub.f32 $1.500000000e+00, v50  }
0x152: {  	_ = 	snop  }
0x153: {  	v48 =	vmul.f32 v48, v44  }
0x154: {  	v37 =	vmul.f32 v47, v37  }
0x155: {  	v57 =	vsub.f32 $1.500000000e+00, v48  }
0x156: {  	v58 =	vmin.f32 v37, $1.000000000e+06  }
0x157: {  	v27 =	vmul.f32 v58, v27;
	v44 =	vmul.f32 v57, v44;
	_ =	sdelay $0x1  }
0x158: {  	v60 =	vperm.xlane v2, v45;
	vm0 =	vlt.f32 v27, v3;
	v47 =	vmin.f32 v44, $1.000000000e+06  }
0x159: {  	v59 =	vsel vm0, $0x8, v1;
	v32 =	vmul.f32 v47, v32  }
0x15a: {  	vm8 =	vlt.f32 v28, v60;
	v49 =	vor.u32 $0x4, v59  }
0x15b: {  	v42 =	vsel vm8, v45, v42;
	v50 =	vperm.xlane v2, v49;
	vm7 =	vlt.f32 v32, v3  }
0x15c: {  	v63 =	vor.u32 $0x1, v42;
	v51 =	vsel vm7, $0x8, v1  }
0x15d: {  	v53 =	vperm.xlane v2, v63;
	vm9 =	vlt.f32 v27, v50;
	v61 =	vor.u32 $0x4, v51  }
0x15e: {  	vm1 =	vlt.f32 v25, v46;
	v52 =	vsel vm9, v49, v59;
	v62 =	vperm.xlane v2, v61  }
0x15f: {  	v36 =	vsel vm1, v38, v36;
	vm11 =	vlt.f32 v28, v53;
	v54 =	vor.u32 $0x2, v52  }
0x160: {  	v25 =	vsel vm11, v63, v42;
	v56 =	vperm.xlane v2, v54;
	vm10 =	vlt.f32 v32, v62  }
0x161: {  	v55 =	vsel vm10, v61, v51  }
0x162: {  	v5 =	vmul.f32 v31, v5;
	vm12 =	vlt.f32 v27, v56;
	v57 =	vor.u32 $0x2, v55  }
0x163: {  	v34 =	vmul.f32 v41, v34;
	v59 =	vsel vm12, v54, v52;
	v58 =	vperm.xlane v2, v57  }
0x164: {  	v40 =	vmul.f32 v40, v43;
	[tilespmem:s25+$0xC110] =	vst v5;
	v60 =	vld.idx.msk [tilespmem:v36+s12+$0x0], $0xffff;
	v45 =	vor.u32 $0x1, v59  }
0x165: {  	v5 =	vmul.f32 v34, v13;
	v41 =	vld.idx.msk [tilespmem:v25+s12+$0x0], $0xffff;
	v61 =	vperm.xlane v2, v45;
	vm13 =	vlt.f32 v32, v58  }
0x166: {  	[tilespmem:s25+$0xC000] =	vst v40;
	v7 =	vmul.f32 v34, v7;
	v46 =	vld.idx.msk [tilespmem:v25+s14+$0x0], $0xffff;
	v28 =	vsel vm13, v57, v55  }
0x167: {  	v4 =	vmul.f32 v34, v4;
	[tilespmem:s25+$0xC080] =	vst v5;
	v62 =	vld.idx.msk [tilespmem:v36+s14+$0x0], $0xffff;
	vm14 =	vlt.f32 v27, v61;
	v63 =	vor.u32 $0x1, v28  }
0x168: {  	v48 =	vmax.f32 v22, $9.999999970e-07;
	[tilespmem:s25+$0xC100] =	vst v7;
	v45 =	vsel vm14, v45, v59;
	v42 =	vperm.xlane v2, v63  }
0x169: {  	v6 =	vmul.f32 v31, v6;
	v29 =	vmax.f32 v29, $9.999999970e-07;
	[tilespmem:s28+$0x8000] =	vst v4;
	v4 =	vmul.f32 v48, v24  }
0x16a: {  	v15 =	vmul.f32 v31, v15;
	v21 =	vmul.f32 v29, v21;
	vm15 =	vlt.f32 v32, v42  }
0x16b: {  	[tilespmem:s25+$0xC090] =	vst v6;
	v47 =	vmul.f32 v29, v60;
	v4 =	vmul.f32 v4, v46;
	v5 =	vsel vm15, v63, v28  }
0x16c: {  	[tilespmem:s26+$0x8000] =	vst v15;
	v6 =	vmul.f32 v21, v62;
	v21 =	vmul.f32 v48, v41  }
0x16d: {  	v49 =	vmul.f32 v37, v26;
	[tilespmem:s29+$0xC010] =	vst v47;
	v55 =	vmul.f32 v4, v10;
	v13 =	vld.idx.msk [tilespmem:v45+s14+$0x0], $0xffff  }
0x16e: {  	v57 =	vmul.f32 v4, v8;
	[tilespmem:s29+$0xC000] =	vst v21;
	v51 =	vld.idx.msk [tilespmem:v45+s12+$0x0], $0xffff  }
0x16f: {  	v53 =	vmul.f32 v44, v30;
	v54 =	vmax.f32 v49, $9.999999970e-07;
	v50 =	vmul.f32 v6, v12;
	[tilespmem:s29+$0xC080] =	vst v55  }
0x170: {  	v56 =	vmul.f32 v54, v39;
	v9 =	vmul.f32 v6, v9;
	[tilespmem:s29+$0xC100] =	vst v57;
	v52 =	vld.idx.msk [tilespmem:v5+s12+$0x0], $0xffff  }
0x171: {  	v58 =	vmul.f32 v33, v35;
	v4 =	vmul.f32 v4, v14;
	[tilespmem:s29+$0xC090] =	vst v50;
	v5 =	vld.idx.msk [tilespmem:v5+s14+$0x0], $0xffff  }
0x172: {  	v6 =	vmul.f32 v6, v11;
	[tilespmem:s29+$0xC110] =	vst v9;
	v59 =	vmul.f32 v56, v13  }
0x173: {  	v61 =	vmax.f32 v53, $9.999999970e-07;
	[tilespmem:s0+$0x8000] =	vst v4;
	v60 =	vmul.f32 v54, v51  }
0x174: {  	v4 =	vmul.f32 v61, v58;
	[tilespmem:s30+$0x8000] =	vst v6;
	v62 =	vmul.f32 v59, v20  }
0x175: {  	[tilespmem:s4+$0xC010] =	vst v60;
	v7 =	vmul.f32 v61, v52  }
0x176: {  	[tilespmem:s4+$0xC090] =	vst v62;
	v4 =	vmul.f32 v4, v5;
	v5 =	vmul.f32 v59, v16  }
0x177: {  	s23 =	sadd.s32 $0x1, s23;
	v6 =	vmul.f32 v59, v17;
	[tilespmem:s4+$0xC000] =	vst v7  }
0x178: {  	p0 =	sne.s32 s23, $0x20;
	[tilespmem:s4+$0xC110] =	vst v5;
	v5 =	vmul.f32 v4, v19  }
.Ltmp5:
0x179: {  	v63 =	vmul.f32 v4, v18;
	[tilespmem:s2+$0x8000] =	vst v6;
	(pc) =	sbr.rel @p0 .LBB2_2-.Ltmp5, $4  }
0x17a: {  	v4 =	vmul.f32 v4, v23;
	[tilespmem:s4+$0xC080] =	vst v5  }
0x17b: {  	[tilespmem:s4+$0xC100] =	vst v63  }
0x17c: {  	s31 =	sadd.s32 s15, s24;
	[tilespmem:s3+$0x8000] =	vst v4  }
0x17d: {  	[hbm4b:s31+s6] =	stream.linear.scatter [tilespmem:s20], [sflag:$0x4], $0x4000, $0x38;
	[tilespmem:$0x10020] =	vst v63  }
0x17e: {  	s0 =	simm.s32 $0x3  }
0x17f: {  	_ =	swait.ge [sflag:s0], $0x4000  }
0x180: {  	[sflag:s0] =	ssyncset.done $0x0  }
0x181: {  	[sflag:s0] =	ssyncadd.s32 $0xFFFFC000  }
0x182: {  	_ =	swait.ge [sflag:s19], $0x4000  }
0x183: {  	s1 =	rddreg [dreg:$0x8]  }
0x184: {  	s31 =	rddreg [dreg:$0x7];
	s1 =	sadd.s32 $0x1, s1  }
0x185: {  	p0 =	sne.s32 s1, s31  }
.Ltmp6:
0x186: {  	_ = 	snop;
	(pc) =	sbr.rel @p0 .LBB2_1-.Ltmp6, $3  }
0x187: {  	_ =	sdelay $0x1  }
0x188: {  	[sflag:s19] =	ssyncset.done $0x0  }
0x189: {  	[sflag:s19] =	ssyncadd.s32 $0xFFFFC000  }
0x18a: {  	_ =	sfence.sel $0x180000  }
0x18b: {  	[bflag:$0x0] =	sbarrier.arrive $0xFFFF  }
0x18c: {  	_ =	strace $0x90000047  }
0x18d: {  	s0 =	stileid.u32;
	[bflag:$0x2] =	sbarrier.arrive $0xFFFF  }
0x18e: {  	p0 =	sne.s32 s0, $0x0;
	s0 =	rddreg [dreg:$0x4]  }
0x18f: {  	s0 =	sadd.s32 @!p0 $0x100000, s0  }
0x190: {  	[sflag:s0] =	ssyncadd.tile.s32 @!p0 $0x1;
	_ =	shalt  }
.Lfunc_end2:
_tile_overlayer_lowered:
.L_overlay_start_2:
0x191: {  	(tag) =	ssettag $0x2  }
0x192: {  	s0 =	rddreg [dreg:$0x0];
	s2 =	stileid.u32  }
0x193: {  	s1 =	rddreg [dreg:$0x1];
	p0 =	sne.s32 s2, $0x0  }
0x194: {  	s3 =	rddreg [dreg:$0x2];
	[bflag:$0x3] =	sbarrier.arrive $0xFFFF;
	s2 =	simm.s32 @!p0 $0x1C05  }
0x195: {  	[timem:s3], [sflag:s2] =	dma.local @!p0 [hbm:s0], s1  }
0x196: {  	s0 =	simm.s32 @!p0 $0x5  }
0x197: {  	_ =	swait.ge @!p0 [sflag:s0], s1  }
0x198: {  	s1 =	ssub.s32 @!p0 $0x0, s1;
	[sflag:s0] =	ssyncset.done @!p0 $0x0  }
0x199: {  	[sflag:s0] =	ssyncadd.s32 @!p0 s1  }
0x19a: {  	[bflag:$0x3] =	sbarrier.arrive $0xFFFF  }
0x19b: {  	_ =	shalt  }

</sc_bundles>
